<compile_context>
chip_gen: v7x
topology: tpu7x:2x2x1
jax: 0.10.2.dev20260603
libtpu: 0.0.44.dev20260713+nightly
codegen_flags: <defaults>
</compile_context>

<pallas_src>
import functools

import jax
import jax.numpy as jnp
from jax import lax
from jax.experimental import pallas as pl
from jax.experimental.pallas import tpu as pltpu
from jax.experimental.pallas import tpu_sc as plsc

_B = 16
_N = 2048
_S = 512
_K = 32
_RADIUS2 = 0.2 * 0.2
_EPS = 1e-5
_INV_SQRT2 = 0.7071067811865476


def _gelu(x):
    return 0.5 * x * (1.0 + lax.erf(x * _INV_SQRT2))


def _rows(v, r):
    ones = jnp.ones((r, 1), jnp.float32)
    return lax.dot_general(ones, v, (((1,), (0,)), ((), ())),
                           preferred_element_type=jnp.float32,
                           precision=lax.Precision.HIGHEST)


def _bdot(a, b, dims):
    return lax.dot_general(a.astype(jnp.bfloat16), b.astype(jnp.bfloat16),
                           (dims, ((), ())),
                           preferred_element_type=jnp.float32)



def _time_body(t_ref, w0_ref, b0_ref, w1_ref, b1_ref, w2_ref, b2_ref,
               o0_ref, o1_ref, o2_ref):
    t = _gelu(t_ref[...])
    for w_ref, b_ref, o_ref in ((w0_ref, b0_ref, o0_ref),
                                (w1_ref, b1_ref, o1_ref),
                                (w2_ref, b2_ref, o2_ref)):
        o_ref[...] = _bdot(t, w_ref[...], ((1,), (0,))) \
            + _rows(b_ref[...], t.shape[0])


def _time_mlp(t_embed, tw0, tb0, tw1, tb1, tw2, tb2):
    outs = [jax.ShapeDtypeStruct((_B, tw.shape[0]), jnp.float32)
            for tw in (tw0, tw1, tw2)]
    return pl.pallas_call(
        _time_body,
        out_shape=outs,
    )(t_embed, tw0.T, tb0.reshape(1, -1), tw1.T, tb1.reshape(1, -1),
      tw2.T, tb2.reshape(1, -1))



def _fps_body(xyz_ref, idx_ref, nx_ref):
    x = xyz_ref[0]
    iota_n = lax.broadcasted_iota(jnp.int32, (1, _N), 1)
    ones8 = jnp.ones((8, 1), dtype=jnp.float32)

    def body(i, carry):
        dist, far, cent, nx = carry
        far8 = lax.dot_general(ones8, far.astype(jnp.float32),
                               (((1,), (0,)), ((), ())),
                               preferred_element_type=jnp.float32,
                               precision=lax.Precision.HIGHEST)
        colmask = lax.broadcasted_iota(jnp.int32, (8, _S), 1) == i
        cent = jnp.where(colmask, jnp.broadcast_to(far8, (8, _S)), cent)
        onehot = (iota_n == far).astype(jnp.float32)
        c = jnp.sum(x * onehot, axis=1, keepdims=True)
        nx = jnp.where(colmask, jnp.broadcast_to(c, (8, _S)), nx)
        d = jnp.sum((x - jnp.broadcast_to(c, (8, _N))) ** 2, axis=0,
                    keepdims=True)
        dist = jnp.minimum(dist, d)
        far = jnp.argmax(dist, axis=1).astype(jnp.int32).reshape(1, 1)
        return dist, far, cent, nx

    dist0 = jnp.full((1, _N), 1e10, dtype=jnp.float32)
    far0 = jnp.zeros((1, 1), dtype=jnp.int32)
    cent0 = jnp.zeros((8, _S), dtype=jnp.float32)
    nx0 = jnp.zeros((8, _S), dtype=jnp.float32)
    _, _, cent, nx = lax.fori_loop(0, _S, body, (dist0, far0, cent0, nx0))
    idx_ref[0] = cent[0:1].astype(jnp.int32)
    nx_ref[0] = nx


def _fps(xyz_t8):
    return pl.pallas_call(
        _fps_body,
        grid=(_B,),
        in_specs=[pl.BlockSpec((1, 8, _N), lambda b: (b, 0, 0))],
        out_specs=[pl.BlockSpec((1, 1, _S), lambda b: (b, 0, 0)),
                   pl.BlockSpec((1, 8, _S), lambda b: (b, 0, 0))],
        out_shape=[jax.ShapeDtypeStruct((_B, 1, _S), jnp.int32),
                   jax.ShapeDtypeStruct((_B, 8, _S), jnp.float32)],
    )(xyz_t8)



def _ball_body(xyz_ref, nx_ref, idx_ref):
    x = xyz_ref[0]
    n = nx_ref[0]
    sq_x = jnp.sum(x * x, axis=0, keepdims=True)
    sq_n = jnp.sum(n * n, axis=0, keepdims=True)
    hp = dict(preferred_element_type=jnp.float32,
              precision=lax.Precision.HIGHEST)
    sqn_mat = lax.dot_general(sq_n, jnp.ones((1, _N), jnp.float32),
                              (((0,), (0,)), ((), ())), **hp)
    sqx_mat = lax.dot_general(jnp.ones((1, _S), jnp.float32), sq_x,
                              (((0,), (0,)), ((), ())), **hp)
    dn = _bdot(n, x, ((0,), (0,)))
    sqd = (sqn_mat + sqx_mat) - 2.0 * dn

    iota_n = jnp.broadcast_to(lax.broadcasted_iota(jnp.int32, (1, _N), 1),
                              (_S, _N))
    cur = jnp.where(sqd <= _RADIUS2, iota_n, _N)
    iota_k = lax.broadcasted_iota(jnp.int32, (_S, _K), 1)
    acc = jnp.zeros((_S, _K), dtype=jnp.int32)
    first = None
    for k in range(_K):
        m = jnp.min(cur, axis=1, keepdims=True)
        if first is None:
            first = m
            sel = m
        else:
            sel = jnp.where(m == _N, first, m)
        acc = jnp.where(iota_k == k, jnp.broadcast_to(sel, (_S, _K)), acc)
        cur = jnp.where(cur == m, _N, cur)
    idx_ref[0] = acc


def _ball(xyz_t8, nx8):
    return pl.pallas_call(
        _ball_body,
        grid=(_B,),
        in_specs=[pl.BlockSpec((1, 8, _N), lambda b: (b, 0, 0)),
                  pl.BlockSpec((1, 8, _S), lambda b: (b, 0, 0))],
        out_specs=pl.BlockSpec((1, _S, _K), lambda b: (b, 0, 0)),
        out_shape=jax.ShapeDtypeStruct((_B, _S, _K), jnp.int32),
    )(xyz_t8, nx8)



def _g_body(xyz_ref, pts_ref, wxyz_ref, wp_ref, g_ref):
    x = xyz_ref[0]
    p = pts_ref[0]
    gx = _bdot(x, wxyz_ref[...], ((0,), (0,)))
    gp = _bdot(p, wp_ref[...], ((0,), (0,)))
    g_ref[0] = gx + gp


def _g_project(xyz_t8, points, wxyz_pad, wp_t):
    c0 = wp_t.shape[1]
    return pl.pallas_call(
        _g_body,
        grid=(_B,),
        in_specs=[pl.BlockSpec((1, 8, _N), lambda b: (b, 0, 0)),
                  pl.BlockSpec((1, 128, _N), lambda b: (b, 0, 0)),
                  pl.BlockSpec((8, c0), lambda b: (0, 0)),
                  pl.BlockSpec((128, c0), lambda b: (0, 0))],
        out_specs=pl.BlockSpec((1, _N, c0), lambda b: (b, 0, 0)),
        out_shape=jax.ShapeDtypeStruct((_B, _N, c0), jnp.float32),
    )(xyz_t8, points, wxyz_pad, wp_t)



_SC_CHUNK = 128


def _sc_gather(table, idxg):
    rows, d = idxg.shape[0], table.shape[1]
    info = plsc.get_sparse_core_info()
    nw = info.num_cores * info.num_subcores
    rows_per_w = rows // nw
    n_chunks = rows_per_w // _SC_CHUNK
    mesh = plsc.VectorSubcoreMesh(core_axis_name="c", subcore_axis_name="s")

    @functools.partial(
        pl.kernel, mesh=mesh,
        out_type=jax.ShapeDtypeStruct((rows, d), jnp.float32),
        scratch_types=[
            pltpu.VMEM((_SC_CHUNK,), jnp.int32),
            pltpu.VMEM((_SC_CHUNK, d), jnp.float32),
            pltpu.SemaphoreType.DMA,
        ],
    )
    def gk(table_hbm, idx_hbm, out_hbm, idx_v, rows_v, sem):
        wid = lax.axis_index("s") * info.num_cores + lax.axis_index("c")
        base = wid * rows_per_w

        def body(i, carry):
            off = base + i * _SC_CHUNK
            pltpu.sync_copy(idx_hbm.at[pl.ds(off, _SC_CHUNK)], idx_v)
            pltpu.async_copy(table_hbm.at[idx_v], rows_v, sem).wait()
            pltpu.sync_copy(rows_v, out_hbm.at[pl.ds(off, _SC_CHUNK)])
            return carry

        lax.fori_loop(0, n_chunks, body, 0)

    return gk(table, idxg)



def _corr_body(nx_ref, wxyz_ref, t0_ref, corr_ref):
    n = nx_ref[0]
    proj = _bdot(n, wxyz_ref[...], ((0,), (0,)))
    corr_ref[0] = _rows(t0_ref[0], _S) - proj


def _corr(nx8, wxyz_pad, t0_3d):
    c0 = wxyz_pad.shape[1]
    return pl.pallas_call(
        _corr_body,
        grid=(_B,),
        in_specs=[pl.BlockSpec((1, 8, _S), lambda b: (b, 0, 0)),
                  pl.BlockSpec((8, c0), lambda b: (0, 0)),
                  pl.BlockSpec((1, 1, c0), lambda b: (b, 0, 0))],
        out_specs=pl.BlockSpec((1, _S, c0), lambda b: (b, 0, 0)),
        out_shape=jax.ShapeDtypeStruct((_B, _S, c0), jnp.float32),
    )(nx8, wxyz_pad, t0_3d)



_RB = 2048
_GB = _RB // _K


def _expand_mat():
    r = lax.broadcasted_iota(jnp.int32, (_RB, _GB), 0) // _K
    q = lax.broadcasted_iota(jnp.int32, (_RB, _GB), 1)
    return (r == q).astype(jnp.float32)


def _y0_block(g_ref, c_ref):
    e = _expand_mat()
    cexp = lax.dot_general(e, c_ref[0, 0], (((1,), (0,)), ((), ())),
                           preferred_element_type=jnp.float32,
                           precision=lax.Precision.HIGHEST)
    return g_ref[0, 0] + cexp


def _accum_stats(y, s1_ref, s2_ref):
    step = pl.program_id(0) * pl.num_programs(1) + pl.program_id(1)

    @pl.when(step == 0)
    def _():
        s1_ref[...] = jnp.zeros_like(s1_ref)
        s2_ref[...] = jnp.zeros_like(s2_ref)

    s1_ref[...] += jnp.sum(y, axis=0, keepdims=True)
    s2_ref[...] += jnp.sum(y * y, axis=0, keepdims=True)



def _stats0_body(g_ref, c_ref, s1_ref, s2_ref):
    _accum_stats(_y0_block(g_ref, c_ref), s1_ref, s2_ref)


def _stats0(gg4, corr4):
    c0 = gg4.shape[3]
    return pl.pallas_call(
        _stats0_body,
        grid=(_B, 8),
        in_specs=[pl.BlockSpec((1, 1, _RB, c0), lambda b, j: (b, j, 0, 0)),
                  pl.BlockSpec((1, 1, _GB, c0), lambda b, j: (b, j, 0, 0))],
        out_specs=[pl.BlockSpec((1, c0), lambda b, j: (0, 0)),
                   pl.BlockSpec((1, c0), lambda b, j: (0, 0))],
        out_shape=[jax.ShapeDtypeStruct((1, c0), jnp.float32),
                   jax.ShapeDtypeStruct((1, c0), jnp.float32)],
    )(gg4, corr4)



def _layer1_body(g_ref, c_ref, sc_ref, sh_ref, w_ref, t_ref,
                 y_ref, s1_ref, s2_ref):
    y0 = _y0_block(g_ref, c_ref)
    z0 = _gelu(y0 * _rows(sc_ref[...], _RB) + _rows(sh_ref[...], _RB))
    y1 = _bdot(z0, w_ref[...], ((1,), (0,))) + _rows(t_ref[0], _RB)
    y_ref[0, 0] = y1
    _accum_stats(y1, s1_ref, s2_ref)


def _layer1(gg4, corr4, scale0, shift0, w1_t, t1_3d):
    c0, c1 = gg4.shape[3], w1_t.shape[1]
    return pl.pallas_call(
        _layer1_body,
        grid=(_B, 8),
        in_specs=[pl.BlockSpec((1, 1, _RB, c0), lambda b, j: (b, j, 0, 0)),
                  pl.BlockSpec((1, 1, _GB, c0), lambda b, j: (b, j, 0, 0)),
                  pl.BlockSpec((1, c0), lambda b, j: (0, 0)),
                  pl.BlockSpec((1, c0), lambda b, j: (0, 0)),
                  pl.BlockSpec((c0, c1), lambda b, j: (0, 0)),
                  pl.BlockSpec((1, 1, c1), lambda b, j: (b, 0, 0))],
        out_specs=[pl.BlockSpec((1, 1, _RB, c1), lambda b, j: (b, j, 0, 0)),
                   pl.BlockSpec((1, c1), lambda b, j: (0, 0)),
                   pl.BlockSpec((1, c1), lambda b, j: (0, 0))],
        out_shape=[jax.ShapeDtypeStruct((_B, 8, _RB, c1), jnp.float32),
                   jax.ShapeDtypeStruct((1, c1), jnp.float32),
                   jax.ShapeDtypeStruct((1, c1), jnp.float32)],
    )(gg4, corr4, scale0, shift0, w1_t, t1_3d)



def _layer2_body(y1_ref, sc_ref, sh_ref, w_ref, t_ref, y_ref, s1_ref, s2_ref):
    z1 = _gelu(y1_ref[0, 0] * _rows(sc_ref[...], _RB) + _rows(sh_ref[...], _RB))
    y2 = _bdot(z1, w_ref[...], ((1,), (0,))) + _rows(t_ref[0], _RB)
    y_ref[0, 0] = y2
    _accum_stats(y2, s1_ref, s2_ref)


def _layer2(y1, scale1, shift1, w2_t, t2_3d):
    c1, c2 = y1.shape[3], w2_t.shape[1]
    return pl.pallas_call(
        _layer2_body,
        grid=(_B, 8),
        in_specs=[pl.BlockSpec((1, 1, _RB, c1), lambda b, j: (b, j, 0, 0)),
                  pl.BlockSpec((1, c1), lambda b, j: (0, 0)),
                  pl.BlockSpec((1, c1), lambda b, j: (0, 0)),
                  pl.BlockSpec((c1, c2), lambda b, j: (0, 0)),
                  pl.BlockSpec((1, 1, c2), lambda b, j: (b, 0, 0))],
        out_specs=[pl.BlockSpec((1, 1, _RB, c2), lambda b, j: (b, j, 0, 0)),
                   pl.BlockSpec((1, c2), lambda b, j: (0, 0)),
                   pl.BlockSpec((1, c2), lambda b, j: (0, 0))],
        out_shape=[jax.ShapeDtypeStruct((_B, 8, _RB, c2), jnp.float32),
                   jax.ShapeDtypeStruct((1, c2), jnp.float32),
                   jax.ShapeDtypeStruct((1, c2), jnp.float32)],
    )(y1, scale1, shift1, w2_t, t2_3d)



def _final_body(y2_ref, sc_ref, sh_ref, o_ref):
    z = _gelu(y2_ref[0, 0] * _rows(sc_ref[...], _RB)
              + _rows(sh_ref[...], _RB))
    z3 = z.reshape(_GB, _K, z.shape[1])
    acc = z3[:, 0, :]
    for k in range(1, _K):
        acc = jnp.maximum(acc, z3[:, k, :])
    o_ref[0, 0] = acc


def _final(y2, scale2, shift2):
    c2 = y2.shape[3]
    return pl.pallas_call(
        _final_body,
        grid=(_B, 8),
        in_specs=[pl.BlockSpec((1, 1, _RB, c2), lambda b, j: (b, j, 0, 0)),
                  pl.BlockSpec((1, c2), lambda b, j: (0, 0)),
                  pl.BlockSpec((1, c2), lambda b, j: (0, 0))],
        out_specs=pl.BlockSpec((1, 1, _GB, c2), lambda b, j: (b, j, 0, 0)),
        out_shape=jax.ShapeDtypeStruct((_B, 8, _GB, c2), jnp.float32),
    )(y2, scale2, shift2)



def _bn_params(s1, s2, gamma, beta):
    n = float(_B * _S * _K)
    mean = s1 / n
    var = s2 / n - mean * mean
    rstd = 1.0 / jnp.sqrt(var + _EPS)
    scale = gamma.reshape(1, -1) * rstd
    shift = beta.reshape(1, -1) - mean * scale
    return scale, shift


def kernel(xyz, points, t_embed,
           conv_w_0, time_w_0, time_b_0, bn_g_0, bn_b_0,
           conv_w_1, time_w_1, time_b_1, bn_g_1, bn_b_1,
           conv_w_2, time_w_2, time_b_2, bn_g_2, bn_b_2):
    xyz_t8 = jnp.pad(jnp.transpose(xyz, (0, 2, 1)), ((0, 0), (0, 5), (0, 0)))

    t0, t1, t2 = _time_mlp(t_embed, time_w_0, time_b_0, time_w_1, time_b_1,
                           time_w_2, time_b_2)

    fps3, nx8 = _fps(xyz_t8)
    idx = _ball(xyz_t8, nx8)

    wxyz_pad = jnp.pad(conv_w_0[:, :3].T, ((0, 5), (0, 0)))
    wp_t = conv_w_0[:, 3:].T
    g = _g_project(xyz_t8, points, wxyz_pad, wp_t)

    idxg = (idx + (jnp.arange(_B, dtype=jnp.int32) * _N)[:, None, None])
    gg = _sc_gather(g.reshape(_B * _N, -1), idxg.reshape(-1))

    corr = _corr(nx8, wxyz_pad, t0.reshape(_B, 1, -1))

    gg4 = gg.reshape(_B, 8, _RB, -1)
    corr4 = corr.reshape(_B, 8, _GB, -1)

    s1, s2 = _stats0(gg4, corr4)
    scale0, shift0 = _bn_params(s1, s2, bn_g_0, bn_b_0)

    y1, s1_1, s2_1 = _layer1(gg4, corr4, scale0, shift0, conv_w_1.T,
                             t1.reshape(_B, 1, -1))
    scale1, shift1 = _bn_params(s1_1, s2_1, bn_g_1, bn_b_1)

    y2, s1_2, s2_2 = _layer2(y1, scale1, shift1, conv_w_2.T,
                             t2.reshape(_B, 1, -1))
    scale2, shift2 = _bn_params(s1_2, s2_2, bn_g_2, bn_b_2)

    npool = _final(y2, scale2, shift2)

    new_xyz = jnp.transpose(nx8[:, :3, :], (0, 2, 1))
    new_points = jnp.transpose(npool.reshape(_B, _S, -1), (0, 2, 1))
    return (new_xyz, new_points)

# --- scband reference (transcript-rebuilt; emitter-appended) ---
"""Pipeline reference for scband-point-net-set-abstraction-30683246363223 (READ-ONLY COPY).

The authoritative reference and input builder live on the scoring server;
editing this copy changes nothing except your own understanding.
"""

import jax, jax.numpy as jnp
import numpy as np

B = 16
N = 2048
NPOINT = 512
RADIUS = 0.2
NSAMPLE = 32
IN_CHANNEL = 128
MLP = [128, 128, 256]
TIME_EMBED_DIM = 256


def farthest_point_sample(xyz, npoint):
    Bb, Nn, _ = xyz.shape
    distance = jnp.full((Bb, Nn), 1e10, dtype=xyz.dtype)
    farthest = jnp.zeros((Bb,), dtype=jnp.int32)
    centroids = jnp.zeros((Bb, npoint), dtype=jnp.int32)
    batch_idx = jnp.arange(Bb)

    def body(i, carry):
        centroids, distance, farthest = carry
        centroids = centroids.at[:, i].set(farthest)
        centroid = xyz[batch_idx, farthest][:, None, :]
        dist = jnp.sum((xyz - centroid) ** 2, -1)
        distance = jnp.minimum(distance, dist)
        farthest = jnp.argmax(distance, -1).astype(jnp.int32)
        return (centroids, distance, farthest)

    centroids, _, _ = jax.lax.fori_loop(0, npoint, body, (centroids, distance, farthest))
    return centroids


def index_points(points, idx):
    Bb = points.shape[0]
    batch_indices = jnp.arange(Bb).reshape((Bb,) + (1,) * (idx.ndim - 1))
    return points[batch_indices, idx]


def query_ball_point(radius, nsample, xyz, new_xyz):
    Bb, Nn, _ = xyz.shape
    S = new_xyz.shape[1]
    sqrdists = (jnp.sum(new_xyz ** 2, -1)[:, :, None] + jnp.sum(xyz ** 2, -1)[:, None, :] - 2.0 * jnp.einsum('bsc,bnc->bsn', new_xyz, xyz))
    group_idx = jnp.broadcast_to(jnp.arange(Nn)[None, None, :], (Bb, S, Nn))
    group_idx = jnp.where(sqrdists > radius ** 2, Nn, group_idx)
    group_idx = jnp.sort(group_idx, axis=-1)[:, :, :nsample]
    group_first = jnp.broadcast_to(group_idx[:, :, 0:1], group_idx.shape)
    group_idx = jnp.where(group_idx == Nn, group_first, group_idx)
    return group_idx


def cond_conv(x, t_embed, conv_w, time_w, time_b, bn_g, bn_b):
    y = jnp.einsum('bcl,oc->bol', x, conv_w)
    t = jax.nn.gelu(t_embed, approximate=False) @ time_w.T + time_b
    y = y + t[:, :, None]
    mean = jnp.mean(y, axis=(0, 2), keepdims=True)
    var = jnp.var(y, axis=(0, 2), keepdims=True)
    y = (y - mean) / jnp.sqrt(var + 1e-5)
    y = y * bn_g[None, :, None] + bn_b[None, :, None]
    return jax.nn.gelu(y, approximate=False)


def _forward(xyz, points, t_embed, layer_params):
    xyz_c = jax.lax.stop_gradient(xyz)
    fps_idx = farthest_point_sample(xyz_c, NPOINT)
    new_xyz = index_points(xyz, fps_idx)
    idx = query_ball_point(RADIUS, NSAMPLE, xyz_c, jax.lax.stop_gradient(new_xyz))
    grouped_xyz = index_points(xyz, idx)
    grouped_xyz_norm = grouped_xyz - new_xyz[:, :, None, :]
    grouped_points = index_points(jnp.transpose(points, (0, 2, 1)), idx)
    new_points = jnp.concatenate([grouped_xyz_norm, grouped_points], axis=-1)
    new_points = jnp.transpose(new_points, (0, 3, 1, 2))
    for (cw, tw, tb, bg, bb) in layer_params:
        Bb, C, S, K = new_points.shape
        flat = new_points.reshape(Bb, C, S * K)
        out = cond_conv(flat, t_embed, cw, tw, tb, bg, bb)
        new_points = out.reshape(Bb, -1, S, K)
    new_points = jnp.max(new_points, axis=3)
    return (new_xyz, new_points)


def setup_inputs(seed: int = 0):
    key = jax.random.key(seed)
    ks = jax.random.split(key, 16)
    inp = {}
    inp['xyz'] = jax.random.uniform(ks[0], (B, N, 3), dtype=jnp.float32)
    inp['points'] = jax.random.normal(ks[1], (B, IN_CHANNEL, N), dtype=jnp.float32)
    inp['t_embed'] = jax.random.normal(ks[2], (B, TIME_EMBED_DIM), dtype=jnp.float32)
    last = IN_CHANNEL + 3
    ki = 3
    for i, oc in enumerate(MLP):
        inp['conv_w_%d' % i] = jax.random.normal(ks[ki], (oc, last), dtype=jnp.float32) / np.sqrt(last)
        ki += 1
        inp['time_w_%d' % i] = jax.random.normal(ks[ki], (oc, TIME_EMBED_DIM), dtype=jnp.float32) / np.sqrt(TIME_EMBED_DIM)
        ki += 1
        inp['time_b_%d' % i] = jnp.zeros((oc,), dtype=jnp.float32)
        inp['bn_g_%d' % i] = jnp.ones((oc,), dtype=jnp.float32)
        inp['bn_b_%d' % i] = jnp.zeros((oc,), dtype=jnp.float32)
        last = oc
    return inp


def reference(xyz, points, t_embed, conv_w_0, time_w_0, time_b_0, bn_g_0, bn_b_0, conv_w_1, time_w_1, time_b_1, bn_g_1, bn_b_1, conv_w_2, time_w_2, time_b_2, bn_g_2, bn_b_2):
    layer_params = [(conv_w_0, time_w_0, time_b_0, bn_g_0, bn_b_0), (conv_w_1, time_w_1, time_b_1, bn_g_1, bn_b_1), (conv_w_2, time_w_2, time_b_2, bn_g_2, bn_b_2)]
    return _forward(xyz, points, t_embed, layer_params)

if __name__ == "__main__":
    import jax
    _d = setup_inputs()
    print(jax.jit(kernel)(*tuple(_d.values())))

</pallas_src>

<mosaic_0001>
#map = affine_map<(d0, d1) -> (0, 0)>
#map1 = affine_map<(d0, d1) -> (0)>
module attributes {stable_mosaic.version = 14 : i64} {
  func.func @gk(%arg0: i32, %arg1: i32, %arg2: memref<32768x128xf32, #tpu.memory_space<hbm>>, %arg3: memref<262144xi32, #tpu.memory_space<hbm>>, %arg4: memref<262144x128xf32, #tpu.memory_space<hbm>>, %arg5: memref<128xi32, #tpu.memory_space<vmem>>, %arg6: memref<128x128xf32, #tpu.memory_space<vmem>>, %arg7: memref<!tpu.dma_semaphore, #tpu.memory_space<semaphore_mem>>) attributes {dimension_semantics = [#tpu.dimension_semantics<core_parallel>, #tpu.dimension_semantics<subcore_parallel>], iteration_bounds = array<i64: 2, 16>, scalar_prefetch = 0 : i64, scratch_operands = 3 : i64, tpu.core_type = #tpu.core_type<sc_vector_subcore>, window_params = [{transform_indices = #map}, {transform_indices = #map1}, {transform_indices = #map}]} {
    %mul3A = arith.constant 2 : i32
    %mul3A_0 = arith.muli %arg1, %mul3A : i32
    %add3A = arith.addi %mul3A_0, %arg0 : i32
    %mul3A_1 = arith.constant 8192 : i32
    %mul3A_2 = arith.muli %add3A, %mul3A_1 : i32
    %scan3A = arith.constant 0 : i32
    %scan3A_3 = arith.constant 0 : i32
    %scan3A_4 = arith.constant 64 : i32
    %scan3A_5 = arith.addi %scan3A_3, %scan3A_4 : i32
    %scan3A_6 = arith.constant 1 : i32
    scf.for %scan3A_8 = %scan3A_3 to %scan3A_5 step %scan3A_6  : i32 {
      %mul3A_9 = arith.constant 128 : i32
      %mul3A_10 = arith.muli %scan3A_8, %mul3A_9 : i32
      %add3A_11 = arith.addi %mul3A_2, %mul3A_10 : i32
      "tpu.region"() ({
        %run_scoped3A = tpu.sem_alloc : memref<!tpu.dma_semaphore, #tpu.memory_space<semaphore_mem>>
        %dma_start3A_16 = tpu.memref_slice %arg3[%add3A_11] : memref<262144xi32, #tpu.memory_space<hbm>> -> memref<128xi32, #tpu.memory_space<hbm>>
        %dma_start3A_17 = tpu.memref_slice %arg3[%add3A_11] : memref<262144xi32, #tpu.memory_space<hbm>> -> memref<128xi32, #tpu.memory_space<hbm>>
        tpu.enqueue_dma source(%dma_start3A_17 : memref<128xi32, #tpu.memory_space<hbm>>) target(%arg5 : memref<128xi32, #tpu.memory_space<vmem>>) target_semaphore(%run_scoped3A : memref<!tpu.dma_semaphore, #tpu.memory_space<semaphore_mem>>)
        %dma_wait3A_18 = tpu.memref_slice %arg3[%add3A_11] : memref<262144xi32, #tpu.memory_space<hbm>> -> memref<128xi32, #tpu.memory_space<hbm>>
        %dma_wait3A_19 = tpu.memref_slice %arg3[%add3A_11] : memref<262144xi32, #tpu.memory_space<hbm>> -> memref<128xi32, #tpu.memory_space<hbm>>
        tpu.wait_dma2 semaphore(%run_scoped3A : memref<!tpu.dma_semaphore, #tpu.memory_space<semaphore_mem>>) src(%dma_wait3A_19 : memref<128xi32, #tpu.memory_space<hbm>>) dst(%arg5 : memref<128xi32, #tpu.memory_space<vmem>>)
        tpu.yield
      }) : () -> ()
      %dma_start3A = arith.constant 0 : i32
      %dma_start3A_12 = arith.constant 0 : i32
      %dma_start3A_13 = tpu.memref_slice %arg2[%dma_start3A, %dma_start3A_12] : memref<32768x128xf32, #tpu.memory_space<hbm>> -> memref<32768x128xf32, #tpu.memory_space<hbm>>
      tpu.enqueue_indirect_dma source(%dma_start3A_13 : memref<32768x128xf32, #tpu.memory_space<hbm>>) target(%arg6 : memref<128x128xf32, #tpu.memory_space<vmem>>) offsets(%arg5 : memref<128xi32, #tpu.memory_space<vmem>>) semaphore(%arg7 : memref<!tpu.dma_semaphore, #tpu.memory_space<semaphore_mem>>)
      %dma_wait3A = arith.constant 0 : i32
      %dma_wait3A_14 = arith.constant 0 : i32
      %dma_wait3A_15 = tpu.memref_slice %arg2[%dma_wait3A, %dma_wait3A_14] : memref<32768x128xf32, #tpu.memory_space<hbm>> -> memref<32768x128xf32, #tpu.memory_space<hbm>>
      tpu.wait_indirect_dma semaphore(%arg7 : memref<!tpu.dma_semaphore, #tpu.memory_space<semaphore_mem>>) src(%dma_wait3A_15 : memref<32768x128xf32, #tpu.memory_space<hbm>>) dst(%arg6 : memref<128x128xf32, #tpu.memory_space<vmem>>)
      "tpu.region"() ({
        %run_scoped3A = tpu.sem_alloc : memref<!tpu.dma_semaphore, #tpu.memory_space<semaphore_mem>>
        %dma_start3A_16 = arith.constant 0 : i32
        %dma_start3A_17 = tpu.memref_slice %arg4[%add3A_11, %dma_start3A_16] : memref<262144x128xf32, #tpu.memory_space<hbm>> -> memref<128x128xf32, #tpu.memory_space<hbm>>
        %dma_start3A_18 = arith.constant 0 : i32
        %dma_start3A_19 = tpu.memref_slice %arg4[%add3A_11, %dma_start3A_18] : memref<262144x128xf32, #tpu.memory_space<hbm>> -> memref<128x128xf32, #tpu.memory_space<hbm>>
        tpu.enqueue_dma source(%arg6 : memref<128x128xf32, #tpu.memory_space<vmem>>) target(%dma_start3A_19 : memref<128x128xf32, #tpu.memory_space<hbm>>) target_semaphore(%run_scoped3A : memref<!tpu.dma_semaphore, #tpu.memory_space<semaphore_mem>>)
        %dma_wait3A_20 = arith.constant 0 : i32
        %dma_wait3A_21 = tpu.memref_slice %arg4[%add3A_11, %dma_wait3A_20] : memref<262144x128xf32, #tpu.memory_space<hbm>> -> memref<128x128xf32, #tpu.memory_space<hbm>>
        %dma_wait3A_22 = arith.constant 0 : i32
        %dma_wait3A_23 = tpu.memref_slice %arg4[%add3A_11, %dma_wait3A_22] : memref<262144x128xf32, #tpu.memory_space<hbm>> -> memref<128x128xf32, #tpu.memory_space<hbm>>
        tpu.wait_dma2 semaphore(%run_scoped3A : memref<!tpu.dma_semaphore, #tpu.memory_space<semaphore_mem>>) src(%arg6 : memref<128x128xf32, #tpu.memory_space<vmem>>) dst(%dma_wait3A_23 : memref<128x128xf32, #tpu.memory_space<hbm>>)
        tpu.yield
      }) : () -> ()
    }
    %scan3A_7 = arith.constant 64 : i32
    return
  }
}

module attributes {stable_mosaic.version = 14 : i64} {
  func.func @_fps_body(%arg0: i32, %arg1: memref<1x8x2048xf32, #tpu.memory_space<vmem>>, %arg2: memref<1x1x512xi32, #tpu.memory_space<vmem>>, %arg3: memref<1x8x512xf32, #tpu.memory_space<vmem>>) attributes {dimension_semantics = [#tpu.dimension_semantics<arbitrary>], iteration_bounds = array<i64: 16>, scalar_prefetch = 0 : i64, scratch_operands = 0 : i64, tpu.core_type = #tpu.core_type<tc>, window_params = [{transform_indices = @transform_0, window_bounds = array<i64: 1, 8, 2048>}, {transform_indices = @transform_1, window_bounds = array<i64: 1, 1, 512>}, {transform_indices = @transform_2, window_bounds = array<i64: 1, 8, 512>}]} {
    %get3A = arith.constant 0 : index
    %get3A_0 = arith.constant 0 : index
    %get3A_1 = arith.constant 0 : index
    %get3A_2 = vector.load %arg1[%get3A, %get3A_0, %get3A_1] : memref<1x8x2048xf32, #tpu.memory_space<vmem>>, vector<1x8x2048xf32>
    %get3A_3 = vector.shape_cast %get3A_2 : vector<1x8x2048xf32> to vector<8x2048xf32>
    %iota3A = tpu.iota {dimensions = array<i32: 1>} : vector<1x2048xi32>
    %broadcast_in_dim3A = arith.constant 1.000000e+00 : f32
    %broadcast_in_dim3A_4 = vector.broadcast %broadcast_in_dim3A : f32 to vector<8x1xf32>
    %broadcast_in_dim3A_5 = arith.constant 1.000000e+10 : f32
    %broadcast_in_dim3A_6 = vector.broadcast %broadcast_in_dim3A_5 : f32 to vector<1x2048xf32>
    %broadcast_in_dim3A_7 = arith.constant 0 : i32
    %broadcast_in_dim3A_8 = vector.broadcast %broadcast_in_dim3A_7 : i32 to vector<1x1xi32>
    %broadcast_in_dim3A_9 = arith.constant 0.000000e+00 : f32
    %broadcast_in_dim3A_10 = vector.broadcast %broadcast_in_dim3A_9 : f32 to vector<8x512xf32>
    %broadcast_in_dim3A_11 = arith.constant 0.000000e+00 : f32
    %broadcast_in_dim3A_12 = vector.broadcast %broadcast_in_dim3A_11 : f32 to vector<8x512xf32>
    %scan3A = arith.constant 0 : i32
    %scan3A_13 = arith.constant 512 : i32
    %scan3A_14 = arith.addi %scan3A, %scan3A_13 : i32
    %scan3A_15 = arith.constant 1 : i32
    %scan3A_16:4 = scf.for %scan3A_29 = %scan3A to %scan3A_14 step %scan3A_15 iter_args(%scan3A_30 = %broadcast_in_dim3A_6, %scan3A_31 = %broadcast_in_dim3A_8, %scan3A_32 = %broadcast_in_dim3A_10, %scan3A_33 = %broadcast_in_dim3A_12) -> (vector<1x2048xf32>, vector<1x1xi32>, vector<8x512xf32>, vector<8x512xf32>)  : i32 {
      %convert_element_type3A_34 = arith.sitofp %scan3A_31 : vector<1x1xi32> to vector<1x1xf32>
      %dot_general3A = arith.constant dense<0.000000e+00> : vector<8x1xf32>
      %dot_general3A_35 = tpu.matmul %broadcast_in_dim3A_4, %convert_element_type3A_34, %dot_general3A {dimension_numbers = #tpu.dot_dimension_numbers<[1], [0], [0], [1], [0, 0, 1, 1], [], []>, precision = #tpu.contract_precision<fp32>, transpose_lhs_hint = false} : vector<8x1xf32>, vector<1x1xf32>, vector<8x1xf32> -> vector<8x1xf32>
      %iota3A_36 = tpu.iota {dimensions = array<i32: 1>} : vector<8x512xi32>
      %eq3A = vector.broadcast %scan3A_29 : i32 to vector<8x512xi32>
      %eq3A_37 = arith.cmpi eq, %iota3A_36, %eq3A : vector<8x512xi32>
      %broadcast_in_dim3A_38 = vector.shape_cast %dot_general3A_35 : vector<8x1xf32> to vector<8x1xf32>
      %broadcast_in_dim3A_39 = vector.broadcast %broadcast_in_dim3A_38 : vector<8x1xf32> to vector<8x512xf32>
      %select_n3A = arith.select %eq3A_37, %broadcast_in_dim3A_39, %scan3A_32 : vector<8x512xi1>, vector<8x512xf32>
      %eq3A_40 = vector.broadcast %scan3A_31 : vector<1x1xi32> to vector<1x2048xi32>
      %eq3A_41 = arith.cmpi eq, %iota3A, %eq3A_40 : vector<1x2048xi32>
      %convert_element_type3A_42 = arith.extui %eq3A_41 : vector<1x2048xi1> to vector<1x2048xi32>
      %convert_element_type3A_43 = arith.sitofp %convert_element_type3A_42 : vector<1x2048xi32> to vector<1x2048xf32>
      %mul3A = vector.broadcast %convert_element_type3A_43 : vector<1x2048xf32> to vector<8x2048xf32>
      %mul3A_44 = arith.mulf %get3A_3, %mul3A : vector<8x2048xf32>
      %reduce_sum3A = arith.constant dense<0.000000e+00> : vector<8xf32>
      %reduce_sum3A_45 = vector.multi_reduction <add>, %mul3A_44, %reduce_sum3A [1] : vector<8x2048xf32> to vector<8xf32>
      %broadcast_in_dim3A_46 = vector.shape_cast %reduce_sum3A_45 : vector<8xf32> to vector<8x1xf32>
      %broadcast_in_dim3A_47 = vector.shape_cast %broadcast_in_dim3A_46 : vector<8x1xf32> to vector<8x1xf32>
      %broadcast_in_dim3A_48 = vector.broadcast %broadcast_in_dim3A_47 : vector<8x1xf32> to vector<8x512xf32>
      %select_n3A_49 = arith.select %eq3A_37, %broadcast_in_dim3A_48, %scan3A_33 : vector<8x512xi1>, vector<8x512xf32>
      %broadcast_in_dim3A_50 = vector.shape_cast %broadcast_in_dim3A_46 : vector<8x1xf32> to vector<8x1xf32>
      %broadcast_in_dim3A_51 = vector.broadcast %broadcast_in_dim3A_50 : vector<8x1xf32> to vector<8x2048xf32>
      %sub3A = arith.subf %get3A_3, %broadcast_in_dim3A_51 : vector<8x2048xf32>
      %integer_pow3A = arith.mulf %sub3A, %sub3A : vector<8x2048xf32>
      %reduce_sum3A_52 = arith.constant dense<0.000000e+00> : vector<2048xf32>
      %reduce_sum3A_53 = vector.multi_reduction <add>, %integer_pow3A, %reduce_sum3A_52 [0] : vector<8x2048xf32> to vector<2048xf32>
      %broadcast_in_dim3A_54 = vector.shape_cast %reduce_sum3A_53 : vector<2048xf32> to vector<1x2048xf32>
      %min3A = arith.minimumf %scan3A_30, %broadcast_in_dim3A_54 : vector<1x2048xf32>
      %argmax3A = tpu.reduce_index %min3A {axis = 1 : i32, kind = #tpu.reduction_kind<arg_max>} : vector<1x2048xf32> -> vector<1xi32>
      %reshape3A = vector.shape_cast %argmax3A : vector<1xi32> to vector<1x1xi32>
      scf.yield %min3A, %reshape3A, %select_n3A, %select_n3A_49 : vector<1x2048xf32>, vector<1x1xi32>, vector<8x512xf32>, vector<8x512xf32>
    }
    %scan3A_17 = arith.constant 512 : i32
    %slice3A = vector.extract_strided_slice %scan3A_16#2 {offsets = [0, 0], sizes = [1, 512], strides = [1, 1]} : vector<8x512xf32> to vector<1x512xf32>
    %convert_element_type3A = arith.fptosi %slice3A : vector<1x512xf32> to vector<1x512xi32>
    %swap3A = arith.constant 0 : index
    %swap3A_18 = arith.constant 0 : index
    %swap3A_19 = arith.constant 0 : index
    %swap3A_20 = vector.load %arg2[%swap3A, %swap3A_18, %swap3A_19] : memref<1x1x512xi32, #tpu.memory_space<vmem>>, vector<1x1x512xi32>
    %swap3A_21 = vector.shape_cast %swap3A_20 : vector<1x1x512xi32> to vector<1x512xi32>
    %swap3A_22 = vector.shape_cast %convert_element_type3A : vector<1x512xi32> to vector<1x1x512xi32>
    tpu.vector_store %arg2[%swap3A, %swap3A_18, %swap3A_19], %swap3A_22 {strides = array<i32>} : memref<1x1x512xi32, #tpu.memory_space<vmem>>, vector<1x1x512xi32>,
    %swap3A_23 = arith.constant 0 : index
    %swap3A_24 = arith.constant 0 : index
    %swap3A_25 = arith.constant 0 : index
    %swap3A_26 = vector.load %arg3[%swap3A_23, %swap3A_24, %swap3A_25] : memref<1x8x512xf32, #tpu.memory_space<vmem>>, vector<1x8x512xf32>
    %swap3A_27 = vector.shape_cast %swap3A_26 : vector<1x8x512xf32> to vector<8x512xf32>
    %swap3A_28 = vector.shape_cast %scan3A_16#3 : vector<8x512xf32> to vector<1x8x512xf32>
    tpu.vector_store %arg3[%swap3A_23, %swap3A_24, %swap3A_25], %swap3A_28 {strides = array<i32>} : memref<1x8x512xf32, #tpu.memory_space<vmem>>, vector<1x8x512xf32>,
    return
  }
  func.func @transform_0(%arg0: i32) -> (i32, i32, i32) {
    %c0_i32 = arith.constant 0 : i32
    %c0_i32_0 = arith.constant 0 : i32
    %c0_i32_1 = arith.constant 0 : i32
    return %arg0, %c0_i32, %c0_i32_0 : i32, i32, i32
  }
  func.func @transform_1(%arg0: i32) -> (i32, i32, i32) {
    %c0_i32 = arith.constant 0 : i32
    %c0_i32_0 = arith.constant 0 : i32
    %c0_i32_1 = arith.constant 0 : i32
    return %arg0, %c0_i32, %c0_i32_0 : i32, i32, i32
  }
  func.func @transform_2(%arg0: i32) -> (i32, i32, i32) {
    %c0_i32 = arith.constant 0 : i32
    %c0_i32_0 = arith.constant 0 : i32
    %c0_i32_1 = arith.constant 0 : i32
    return %arg0, %c0_i32, %c0_i32_0 : i32, i32, i32
  }
}

module attributes {stable_mosaic.version = 14 : i64} {
  func.func @_ball_body(%arg0: i32, %arg1: memref<1x8x2048xf32, #tpu.memory_space<vmem>>, %arg2: memref<1x8x512xf32, #tpu.memory_space<vmem>>, %arg3: memref<1x512x32xi32, #tpu.memory_space<vmem>>) attributes {dimension_semantics = [#tpu.dimension_semantics<arbitrary>], iteration_bounds = array<i64: 16>, scalar_prefetch = 0 : i64, scratch_operands = 0 : i64, tpu.core_type = #tpu.core_type<tc>, window_params = [{transform_indices = @transform_0, window_bounds = array<i64: 1, 8, 2048>}, {transform_indices = @transform_1, window_bounds = array<i64: 1, 8, 512>}, {transform_indices = @transform_2, window_bounds = array<i64: 1, 512, 32>}]} {
    %get3A = arith.constant 0 : index
    %get3A_0 = arith.constant 0 : index
    %get3A_1 = arith.constant 0 : index
    %get3A_2 = vector.load %arg1[%get3A, %get3A_0, %get3A_1] : memref<1x8x2048xf32, #tpu.memory_space<vmem>>, vector<1x8x2048xf32>
    %get3A_3 = vector.shape_cast %get3A_2 : vector<1x8x2048xf32> to vector<8x2048xf32>
    %get3A_4 = arith.constant 0 : index
    %get3A_5 = arith.constant 0 : index
    %get3A_6 = arith.constant 0 : index
    %get3A_7 = vector.load %arg2[%get3A_4, %get3A_5, %get3A_6] : memref<1x8x512xf32, #tpu.memory_space<vmem>>, vector<1x8x512xf32>
    %get3A_8 = vector.shape_cast %get3A_7 : vector<1x8x512xf32> to vector<8x512xf32>
    %mul3A = arith.mulf %get3A_3, %get3A_3 : vector<8x2048xf32>
    %reduce_sum3A = arith.constant dense<0.000000e+00> : vector<2048xf32>
    %reduce_sum3A_9 = vector.multi_reduction <add>, %mul3A, %reduce_sum3A [0] : vector<8x2048xf32> to vector<2048xf32>
    %broadcast_in_dim3A = vector.shape_cast %reduce_sum3A_9 : vector<2048xf32> to vector<1x2048xf32>
    %mul3A_10 = arith.mulf %get3A_8, %get3A_8 : vector<8x512xf32>
    %reduce_sum3A_11 = arith.constant dense<0.000000e+00> : vector<512xf32>
    %reduce_sum3A_12 = vector.multi_reduction <add>, %mul3A_10, %reduce_sum3A_11 [0] : vector<8x512xf32> to vector<512xf32>
    %broadcast_in_dim3A_13 = vector.shape_cast %reduce_sum3A_12 : vector<512xf32> to vector<1x512xf32>
    %broadcast_in_dim3A_14 = arith.constant 1.000000e+00 : f32
    %broadcast_in_dim3A_15 = vector.broadcast %broadcast_in_dim3A_14 : f32 to vector<1x2048xf32>
    %dot_general3A = arith.constant dense<0.000000e+00> : vector<512x2048xf32>
    %dot_general3A_16 = tpu.matmul %broadcast_in_dim3A_13, %broadcast_in_dim3A_15, %dot_general3A {dimension_numbers = #tpu.dot_dimension_numbers<[0], [0], [1], [1], [0, 1, 1, 1], [], []>, precision = #tpu.contract_precision<fp32>, transpose_lhs_hint = false} : vector<1x512xf32>, vector<1x2048xf32>, vector<512x2048xf32> -> vector<512x2048xf32>
    %broadcast_in_dim3A_17 = arith.constant 1.000000e+00 : f32
    %broadcast_in_dim3A_18 = vector.broadcast %broadcast_in_dim3A_17 : f32 to vector<1x512xf32>
    %dot_general3A_19 = arith.constant dense<0.000000e+00> : vector<512x2048xf32>
    %dot_general3A_20 = tpu.matmul %broadcast_in_dim3A_18, %broadcast_in_dim3A, %dot_general3A_19 {dimension_numbers = #tpu.dot_dimension_numbers<[0], [0], [1], [1], [0, 1, 1, 1], [], []>, precision = #tpu.contract_precision<fp32>, transpose_lhs_hint = false} : vector<1x512xf32>, vector<1x2048xf32>, vector<512x2048xf32> -> vector<512x2048xf32>
    %convert_element_type3A = arith.truncf %get3A_8 : vector<8x512xf32> to vector<8x512xbf16>
    %convert_element_type3A_21 = arith.truncf %get3A_3 : vector<8x2048xf32> to vector<8x2048xbf16>
    %dot_general3A_22 = arith.constant dense<0.000000e+00> : vector<512x2048xf32>
    %dot_general3A_23 = tpu.matmul %convert_element_type3A, %convert_element_type3A_21, %dot_general3A_22 {dimension_numbers = #tpu.dot_dimension_numbers<[0], [0], [1], [1], [0, 1, 1, 1], [], []>, transpose_lhs_hint = false} : vector<8x512xbf16>, vector<8x2048xbf16>, vector<512x2048xf32> -> vector<512x2048xf32>
    %add3A = arith.addf %dot_general3A_16, %dot_general3A_20 : vector<512x2048xf32>
    %mul3A_24 = arith.constant 2.000000e+00 : f32
    %mul3A_25 = vector.broadcast %mul3A_24 : f32 to vector<512x2048xf32>
    %mul3A_26 = arith.mulf %mul3A_25, %dot_general3A_23 : vector<512x2048xf32>
    %sub3A = arith.subf %add3A, %mul3A_26 : vector<512x2048xf32>
    %iota3A = tpu.iota {dimensions = array<i32: 1>} : vector<1x2048xi32>
    %broadcast_in_dim3A_27 = vector.shape_cast %iota3A : vector<1x2048xi32> to vector<1x2048xi32>
    %broadcast_in_dim3A_28 = vector.broadcast %broadcast_in_dim3A_27 : vector<1x2048xi32> to vector<512x2048xi32>
    %le3A = arith.constant 4.000000e-02 : f32
    %le3A_29 = vector.broadcast %le3A : f32 to vector<512x2048xf32>
    %le3A_30 = arith.cmpf ole, %sub3A, %le3A_29 : vector<512x2048xf32>
    %jit3A = arith.constant 2048 : i32
    %broadcast_in_dim3A_31 = vector.broadcast %jit3A : i32 to vector<512x2048xi32>
    %select_n3A = arith.select %le3A_30, %broadcast_in_dim3A_28, %broadcast_in_dim3A_31 : vector<512x2048xi1>, vector<512x2048xi32>
    %iota3A_32 = tpu.iota {dimensions = array<i32: 1>} : vector<512x32xi32>
    %broadcast_in_dim3A_33 = arith.constant 0 : i32
    %broadcast_in_dim3A_34 = vector.broadcast %broadcast_in_dim3A_33 : i32 to vector<512x32xi32>
    %reduce_min3A = arith.constant dense<2147483647> : vector<512xi32>
    %reduce_min3A_35 = vector.multi_reduction <minsi>, %select_n3A, %reduce_min3A [1] : vector<512x2048xi32> to vector<512xi32>
    %broadcast_in_dim3A_36 = vector.shape_cast %reduce_min3A_35 : vector<512xi32> to vector<512x1xi32>
    %eq3A = arith.constant 0 : i32
    %eq3A_37 = vector.broadcast %eq3A : i32 to vector<512x32xi32>
    %eq3A_38 = arith.cmpi eq, %iota3A_32, %eq3A_37 : vector<512x32xi32>
    %broadcast_in_dim3A_39 = vector.shape_cast %broadcast_in_dim3A_36 : vector<512x1xi32> to vector<512x1xi32>
    %broadcast_in_dim3A_40 = vector.broadcast %broadcast_in_dim3A_39 : vector<512x1xi32> to vector<512x32xi32>
    %select_n3A_41 = arith.select %eq3A_38, %broadcast_in_dim3A_40, %broadcast_in_dim3A_34 : vector<512x32xi1>, vector<512x32xi32>
    %eq3A_42 = vector.broadcast %broadcast_in_dim3A_36 : vector<512x1xi32> to vector<512x2048xi32>
    %eq3A_43 = arith.cmpi eq, %select_n3A, %eq3A_42 : vector<512x2048xi32>
    %jit3A_44 = arith.constant 2048 : i32
    %broadcast_in_dim3A_45 = vector.broadcast %jit3A_44 : i32 to vector<512x2048xi32>
    %select_n3A_46 = arith.select %eq3A_43, %broadcast_in_dim3A_45, %select_n3A : vector<512x2048xi1>, vector<512x2048xi32>
    %reduce_min3A_47 = arith.constant dense<2147483647> : vector<512xi32>
    %reduce_min3A_48 = vector.multi_reduction <minsi>, %select_n3A_46, %reduce_min3A_47 [1] : vector<512x2048xi32> to vector<512xi32>
    %broadcast_in_dim3A_49 = vector.shape_cast %reduce_min3A_48 : vector<512xi32> to vector<512x1xi32>
    %eq3A_50 = arith.constant 2048 : i32
    %eq3A_51 = vector.broadcast %eq3A_50 : i32 to vector<512x1xi32>
    %eq3A_52 = arith.cmpi eq, %broadcast_in_dim3A_49, %eq3A_51 : vector<512x1xi32>
    %select_n3A_53 = arith.select %eq3A_52, %broadcast_in_dim3A_36, %broadcast_in_dim3A_49 : vector<512x1xi1>, vector<512x1xi32>
    %eq3A_54 = arith.constant 1 : i32
    %eq3A_55 = vector.broadcast %eq3A_54 : i32 to vector<512x32xi32>
    %eq3A_56 = arith.cmpi eq, %iota3A_32, %eq3A_55 : vector<512x32xi32>
    %broadcast_in_dim3A_57 = vector.shape_cast %select_n3A_53 : vector<512x1xi32> to vector<512x1xi32>
    %broadcast_in_dim3A_58 = vector.broadcast %broadcast_in_dim3A_57 : vector<512x1xi32> to vector<512x32xi32>
    %select_n3A_59 = arith.select %eq3A_56, %broadcast_in_dim3A_58, %select_n3A_41 : vector<512x32xi1>, vector<512x32xi32>
    %eq3A_60 = vector.broadcast %broadcast_in_dim3A_49 : vector<512x1xi32> to vector<512x2048xi32>
    %eq3A_61 = arith.cmpi eq, %select_n3A_46, %eq3A_60 : vector<512x2048xi32>
    %jit3A_62 = arith.constant 2048 : i32
    %broadcast_in_dim3A_63 = vector.broadcast %jit3A_62 : i32 to vector<512x2048xi32>
    %select_n3A_64 = arith.select %eq3A_61, %broadcast_in_dim3A_63, %select_n3A_46 : vector<512x2048xi1>, vector<512x2048xi32>
    %reduce_min3A_65 = arith.constant dense<2147483647> : vector<512xi32>
    %reduce_min3A_66 = vector.multi_reduction <minsi>, %select_n3A_64, %reduce_min3A_65 [1] : vector<512x2048xi32> to vector<512xi32>
    %broadcast_in_dim3A_67 = vector.shape_cast %reduce_min3A_66 : vector<512xi32> to vector<512x1xi32>
    %eq3A_68 = arith.constant 2048 : i32
    %eq3A_69 = vector.broadcast %eq3A_68 : i32 to vector<512x1xi32>
    %eq3A_70 = arith.cmpi eq, %broadcast_in_dim3A_67, %eq3A_69 : vector<512x1xi32>
    %select_n3A_71 = arith.select %eq3A_70, %broadcast_in_dim3A_36, %broadcast_in_dim3A_67 : vector<512x1xi1>, vector<512x1xi32>
    %eq3A_72 = arith.constant 2 : i32
    %eq3A_73 = vector.broadcast %eq3A_72 : i32 to vector<512x32xi32>
    %eq3A_74 = arith.cmpi eq, %iota3A_32, %eq3A_73 : vector<512x32xi32>
    %broadcast_in_dim3A_75 = vector.shape_cast %select_n3A_71 : vector<512x1xi32> to vector<512x1xi32>
    %broadcast_in_dim3A_76 = vector.broadcast %broadcast_in_dim3A_75 : vector<512x1xi32> to vector<512x32xi32>
    %select_n3A_77 = arith.select %eq3A_74, %broadcast_in_dim3A_76, %select_n3A_59 : vector<512x32xi1>, vector<512x32xi32>
    %eq3A_78 = vector.broadcast %broadcast_in_dim3A_67 : vector<512x1xi32> to vector<512x2048xi32>
    %eq3A_79 = arith.cmpi eq, %select_n3A_64, %eq3A_78 : vector<512x2048xi32>
    %jit3A_80 = arith.constant 2048 : i32
    %broadcast_in_dim3A_81 = vector.broadcast %jit3A_80 : i32 to vector<512x2048xi32>
    %select_n3A_82 = arith.select %eq3A_79, %broadcast_in_dim3A_81, %select_n3A_64 : vector<512x2048xi1>, vector<512x2048xi32>
    %reduce_min3A_83 = arith.constant dense<2147483647> : vector<512xi32>
    %reduce_min3A_84 = vector.multi_reduction <minsi>, %select_n3A_82, %reduce_min3A_83 [1] : vector<512x2048xi32> to vector<512xi32>
    %broadcast_in_dim3A_85 = vector.shape_cast %reduce_min3A_84 : vector<512xi32> to vector<512x1xi32>
    %eq3A_86 = arith.constant 2048 : i32
    %eq3A_87 = vector.broadcast %eq3A_86 : i32 to vector<512x1xi32>
    %eq3A_88 = arith.cmpi eq, %broadcast_in_dim3A_85, %eq3A_87 : vector<512x1xi32>
    %select_n3A_89 = arith.select %eq3A_88, %broadcast_in_dim3A_36, %broadcast_in_dim3A_85 : vector<512x1xi1>, vector<512x1xi32>
    %eq3A_90 = arith.constant 3 : i32
    %eq3A_91 = vector.broadcast %eq3A_90 : i32 to vector<512x32xi32>
    %eq3A_92 = arith.cmpi eq, %iota3A_32, %eq3A_91 : vector<512x32xi32>
    %broadcast_in_dim3A_93 = vector.shape_cast %select_n3A_89 : vector<512x1xi32> to vector<512x1xi32>
    %broadcast_in_dim3A_94 = vector.broadcast %broadcast_in_dim3A_93 : vector<512x1xi32> to vector<512x32xi32>
    %select_n3A_95 = arith.select %eq3A_92, %broadcast_in_dim3A_94, %select_n3A_77 : vector<512x32xi1>, vector<512x32xi32>
    %eq3A_96 = vector.broadcast %broadcast_in_dim3A_85 : vector<512x1xi32> to vector<512x2048xi32>
    %eq3A_97 = arith.cmpi eq, %select_n3A_82, %eq3A_96 : vector<512x2048xi32>
    %jit3A_98 = arith.constant 2048 : i32
    %broadcast_in_dim3A_99 = vector.broadcast %jit3A_98 : i32 to vector<512x2048xi32>
    %select_n3A_100 = arith.select %eq3A_97, %broadcast_in_dim3A_99, %select_n3A_82 : vector<512x2048xi1>, vector<512x2048xi32>
    %reduce_min3A_101 = arith.constant dense<2147483647> : vector<512xi32>
    %reduce_min3A_102 = vector.multi_reduction <minsi>, %select_n3A_100, %reduce_min3A_101 [1] : vector<512x2048xi32> to vector<512xi32>
    %broadcast_in_dim3A_103 = vector.shape_cast %reduce_min3A_102 : vector<512xi32> to vector<512x1xi32>
    %eq3A_104 = arith.constant 2048 : i32
    %eq3A_105 = vector.broadcast %eq3A_104 : i32 to vector<512x1xi32>
    %eq3A_106 = arith.cmpi eq, %broadcast_in_dim3A_103, %eq3A_105 : vector<512x1xi32>
    %select_n3A_107 = arith.select %eq3A_106, %broadcast_in_dim3A_36, %broadcast_in_dim3A_103 : vector<512x1xi1>, vector<512x1xi32>
    %eq3A_108 = arith.constant 4 : i32
    %eq3A_109 = vector.broadcast %eq3A_108 : i32 to vector<512x32xi32>
    %eq3A_110 = arith.cmpi eq, %iota3A_32, %eq3A_109 : vector<512x32xi32>
    %broadcast_in_dim3A_111 = vector.shape_cast %select_n3A_107 : vector<512x1xi32> to vector<512x1xi32>
    %broadcast_in_dim3A_112 = vector.broadcast %broadcast_in_dim3A_111 : vector<512x1xi32> to vector<512x32xi32>
    %select_n3A_113 = arith.select %eq3A_110, %broadcast_in_dim3A_112, %select_n3A_95 : vector<512x32xi1>, vector<512x32xi32>
    %eq3A_114 = vector.broadcast %broadcast_in_dim3A_103 : vector<512x1xi32> to vector<512x2048xi32>
    %eq3A_115 = arith.cmpi eq, %select_n3A_100, %eq3A_114 : vector<512x2048xi32>
    %jit3A_116 = arith.constant 2048 : i32
    %broadcast_in_dim3A_117 = vector.broadcast %jit3A_116 : i32 to vector<512x2048xi32>
    %select_n3A_118 = arith.select %eq3A_115, %broadcast_in_dim3A_117, %select_n3A_100 : vector<512x2048xi1>, vector<512x2048xi32>
    %reduce_min3A_119 = arith.constant dense<2147483647> : vector<512xi32>
    %reduce_min3A_120 = vector.multi_reduction <minsi>, %select_n3A_118, %reduce_min3A_119 [1] : vector<512x2048xi32> to vector<512xi32>
    %broadcast_in_dim3A_121 = vector.shape_cast %reduce_min3A_120 : vector<512xi32> to vector<512x1xi32>
    %eq3A_122 = arith.constant 2048 : i32
    %eq3A_123 = vector.broadcast %eq3A_122 : i32 to vector<512x1xi32>
    %eq3A_124 = arith.cmpi eq, %broadcast_in_dim3A_121, %eq3A_123 : vector<512x1xi32>
    %select_n3A_125 = arith.select %eq3A_124, %broadcast_in_dim3A_36, %broadcast_in_dim3A_121 : vector<512x1xi1>, vector<512x1xi32>
    %eq3A_126 = arith.constant 5 : i32
    %eq3A_127 = vector.broadcast %eq3A_126 : i32 to vector<512x32xi32>
    %eq3A_128 = arith.cmpi eq, %iota3A_32, %eq3A_127 : vector<512x32xi32>
    %broadcast_in_dim3A_129 = vector.shape_cast %select_n3A_125 : vector<512x1xi32> to vector<512x1xi32>
    %broadcast_in_dim3A_130 = vector.broadcast %broadcast_in_dim3A_129 : vector<512x1xi32> to vector<512x32xi32>
    %select_n3A_131 = arith.select %eq3A_128, %broadcast_in_dim3A_130, %select_n3A_113 : vector<512x32xi1>, vector<512x32xi32>
    %eq3A_132 = vector.broadcast %broadcast_in_dim3A_121 : vector<512x1xi32> to vector<512x2048xi32>
    %eq3A_133 = arith.cmpi eq, %select_n3A_118, %eq3A_132 : vector<512x2048xi32>
    %jit3A_134 = arith.constant 2048 : i32
    %broadcast_in_dim3A_135 = vector.broadcast %jit3A_134 : i32 to vector<512x2048xi32>
    %select_n3A_136 = arith.select %eq3A_133, %broadcast_in_dim3A_135, %select_n3A_118 : vector<512x2048xi1>, vector<512x2048xi32>
    %reduce_min3A_137 = arith.constant dense<2147483647> : vector<512xi32>
    %reduce_min3A_138 = vector.multi_reduction <minsi>, %select_n3A_136, %reduce_min3A_137 [1] : vector<512x2048xi32> to vector<512xi32>
    %broadcast_in_dim3A_139 = vector.shape_cast %reduce_min3A_138 : vector<512xi32> to vector<512x1xi32>
    %eq3A_140 = arith.constant 2048 : i32
    %eq3A_141 = vector.broadcast %eq3A_140 : i32 to vector<512x1xi32>
    %eq3A_142 = arith.cmpi eq, %broadcast_in_dim3A_139, %eq3A_141 : vector<512x1xi32>
    %select_n3A_143 = arith.select %eq3A_142, %broadcast_in_dim3A_36, %broadcast_in_dim3A_139 : vector<512x1xi1>, vector<512x1xi32>
    %eq3A_144 = arith.constant 6 : i32
    %eq3A_145 = vector.broadcast %eq3A_144 : i32 to vector<512x32xi32>
    %eq3A_146 = arith.cmpi eq, %iota3A_32, %eq3A_145 : vector<512x32xi32>
    %broadcast_in_dim3A_147 = vector.shape_cast %select_n3A_143 : vector<512x1xi32> to vector<512x1xi32>
    %broadcast_in_dim3A_148 = vector.broadcast %broadcast_in_dim3A_147 : vector<512x1xi32> to vector<512x32xi32>
    %select_n3A_149 = arith.select %eq3A_146, %broadcast_in_dim3A_148, %select_n3A_131 : vector<512x32xi1>, vector<512x32xi32>
    %eq3A_150 = vector.broadcast %broadcast_in_dim3A_139 : vector<512x1xi32> to vector<512x2048xi32>
    %eq3A_151 = arith.cmpi eq, %select_n3A_136, %eq3A_150 : vector<512x2048xi32>
    %jit3A_152 = arith.constant 2048 : i32
    %broadcast_in_dim3A_153 = vector.broadcast %jit3A_152 : i32 to vector<512x2048xi32>
    %select_n3A_154 = arith.select %eq3A_151, %broadcast_in_dim3A_153, %select_n3A_136 : vector<512x2048xi1>, vector<512x2048xi32>
    %reduce_min3A_155 = arith.constant dense<2147483647> : vector<512xi32>
    %reduce_min3A_156 = vector.multi_reduction <minsi>, %select_n3A_154, %reduce_min3A_155 [1] : vector<512x2048xi32> to vector<512xi32>
    %broadcast_in_dim3A_157 = vector.shape_cast %reduce_min3A_156 : vector<512xi32> to vector<512x1xi32>
    %eq3A_158 = arith.constant 2048 : i32
    %eq3A_159 = vector.broadcast %eq3A_158 : i32 to vector<512x1xi32>
    %eq3A_160 = arith.cmpi eq, %broadcast_in_dim3A_157, %eq3A_159 : vector<512x1xi32>
    %select_n3A_161 = arith.select %eq3A_160, %broadcast_in_dim3A_36, %broadcast_in_dim3A_157 : vector<512x1xi1>, vector<512x1xi32>
    %eq3A_162 = arith.constant 7 : i32
    %eq3A_163 = vector.broadcast %eq3A_162 : i32 to vector<512x32xi32>
    %eq3A_164 = arith.cmpi eq, %iota3A_32, %eq3A_163 : vector<512x32xi32>
    %broadcast_in_dim3A_165 = vector.shape_cast %select_n3A_161 : vector<512x1xi32> to vector<512x1xi32>
    %broadcast_in_dim3A_166 = vector.broadcast %broadcast_in_dim3A_165 : vector<512x1xi32> to vector<512x32xi32>
    %select_n3A_167 = arith.select %eq3A_164, %broadcast_in_dim3A_166, %select_n3A_149 : vector<512x32xi1>, vector<512x32xi32>
    %eq3A_168 = vector.broadcast %broadcast_in_dim3A_157 : vector<512x1xi32> to vector<512x2048xi32>
    %eq3A_169 = arith.cmpi eq, %select_n3A_154, %eq3A_168 : vector<512x2048xi32>
    %jit3A_170 = arith.constant 2048 : i32
    %broadcast_in_dim3A_171 = vector.broadcast %jit3A_170 : i32 to vector<512x2048xi32>
    %select_n3A_172 = arith.select %eq3A_169, %broadcast_in_dim3A_171, %select_n3A_154 : vector<512x2048xi1>, vector<512x2048xi32>
    %reduce_min3A_173 = arith.constant dense<2147483647> : vector<512xi32>
    %reduce_min3A_174 = vector.multi_reduction <minsi>, %select_n3A_172, %reduce_min3A_173 [1] : vector<512x2048xi32> to vector<512xi32>
    %broadcast_in_dim3A_175 = vector.shape_cast %reduce_min3A_174 : vector<512xi32> to vector<512x1xi32>
    %eq3A_176 = arith.constant 2048 : i32
    %eq3A_177 = vector.broadcast %eq3A_176 : i32 to vector<512x1xi32>
    %eq3A_178 = arith.cmpi eq, %broadcast_in_dim3A_175, %eq3A_177 : vector<512x1xi32>
    %select_n3A_179 = arith.select %eq3A_178, %broadcast_in_dim3A_36, %broadcast_in_dim3A_175 : vector<512x1xi1>, vector<512x1xi32>
    %eq3A_180 = arith.constant 8 : i32
    %eq3A_181 = vector.broadcast %eq3A_180 : i32 to vector<512x32xi32>
    %eq3A_182 = arith.cmpi eq, %iota3A_32, %eq3A_181 : vector<512x32xi32>
    %broadcast_in_dim3A_183 = vector.shape_cast %select_n3A_179 : vector<512x1xi32> to vector<512x1xi32>
    %broadcast_in_dim3A_184 = vector.broadcast %broadcast_in_dim3A_183 : vector<512x1xi32> to vector<512x32xi32>
    %select_n3A_185 = arith.select %eq3A_182, %broadcast_in_dim3A_184, %select_n3A_167 : vector<512x32xi1>, vector<512x32xi32>
    %eq3A_186 = vector.broadcast %broadcast_in_dim3A_175 : vector<512x1xi32> to vector<512x2048xi32>
    %eq3A_187 = arith.cmpi eq, %select_n3A_172, %eq3A_186 : vector<512x2048xi32>
    %jit3A_188 = arith.constant 2048 : i32
    %broadcast_in_dim3A_189 = vector.broadcast %jit3A_188 : i32 to vector<512x2048xi32>
    %select_n3A_190 = arith.select %eq3A_187, %broadcast_in_dim3A_189, %select_n3A_172 : vector<512x2048xi1>, vector<512x2048xi32>
    %reduce_min3A_191 = arith.constant dense<2147483647> : vector<512xi32>
    %reduce_min3A_192 = vector.multi_reduction <minsi>, %select_n3A_190, %reduce_min3A_191 [1] : vector<512x2048xi32> to vector<512xi32>
    %broadcast_in_dim3A_193 = vector.shape_cast %reduce_min3A_192 : vector<512xi32> to vector<512x1xi32>
    %eq3A_194 = arith.constant 2048 : i32
    %eq3A_195 = vector.broadcast %eq3A_194 : i32 to vector<512x1xi32>
    %eq3A_196 = arith.cmpi eq, %broadcast_in_dim3A_193, %eq3A_195 : vector<512x1xi32>
    %select_n3A_197 = arith.select %eq3A_196, %broadcast_in_dim3A_36, %broadcast_in_dim3A_193 : vector<512x1xi1>, vector<512x1xi32>
    %eq3A_198 = arith.constant 9 : i32
    %eq3A_199 = vector.broadcast %eq3A_198 : i32 to vector<512x32xi32>
    %eq3A_200 = arith.cmpi eq, %iota3A_32, %eq3A_199 : vector<512x32xi32>
    %broadcast_in_dim3A_201 = vector.shape_cast %select_n3A_197 : vector<512x1xi32> to vector<512x1xi32>
    %broadcast_in_dim3A_202 = vector.broadcast %broadcast_in_dim3A_201 : vector<512x1xi32> to vector<512x32xi32>
    %select_n3A_203 = arith.select %eq3A_200, %broadcast_in_dim3A_202, %select_n3A_185 : vector<512x32xi1>, vector<512x32xi32>
    %eq3A_204 = vector.broadcast %broadcast_in_dim3A_193 : vector<512x1xi32> to vector<512x2048xi32>
    %eq3A_205 = arith.cmpi eq, %select_n3A_190, %eq3A_204 : vector<512x2048xi32>
    %jit3A_206 = arith.constant 2048 : i32
    %broadcast_in_dim3A_207 = vector.broadcast %jit3A_206 : i32 to vector<512x2048xi32>
    %select_n3A_208 = arith.select %eq3A_205, %broadcast_in_dim3A_207, %select_n3A_190 : vector<512x2048xi1>, vector<512x2048xi32>
    %reduce_min3A_209 = arith.constant dense<2147483647> : vector<512xi32>
    %reduce_min3A_210 = vector.multi_reduction <minsi>, %select_n3A_208, %reduce_min3A_209 [1] : vector<512x2048xi32> to vector<512xi32>
    %broadcast_in_dim3A_211 = vector.shape_cast %reduce_min3A_210 : vector<512xi32> to vector<512x1xi32>
    %eq3A_212 = arith.constant 2048 : i32
    %eq3A_213 = vector.broadcast %eq3A_212 : i32 to vector<512x1xi32>
    %eq3A_214 = arith.cmpi eq, %broadcast_in_dim3A_211, %eq3A_213 : vector<512x1xi32>
    %select_n3A_215 = arith.select %eq3A_214, %broadcast_in_dim3A_36, %broadcast_in_dim3A_211 : vector<512x1xi1>, vector<512x1xi32>
    %eq3A_216 = arith.constant 10 : i32
    %eq3A_217 = vector.broadcast %eq3A_216 : i32 to vector<512x32xi32>
    %eq3A_218 = arith.cmpi eq, %iota3A_32, %eq3A_217 : vector<512x32xi32>
    %broadcast_in_dim3A_219 = vector.shape_cast %select_n3A_215 : vector<512x1xi32> to vector<512x1xi32>
    %broadcast_in_dim3A_220 = vector.broadcast %broadcast_in_dim3A_219 : vector<512x1xi32> to vector<512x32xi32>
    %select_n3A_221 = arith.select %eq3A_218, %broadcast_in_dim3A_220, %select_n3A_203 : vector<512x32xi1>, vector<512x32xi32>
    %eq3A_222 = vector.broadcast %broadcast_in_dim3A_211 : vector<512x1xi32> to vector<512x2048xi32>
    %eq3A_223 = arith.cmpi eq, %select_n3A_208, %eq3A_222 : vector<512x2048xi32>
    %jit3A_224 = arith.constant 2048 : i32
    %broadcast_in_dim3A_225 = vector.broadcast %jit3A_224 : i32 to vector<512x2048xi32>
    %select_n3A_226 = arith.select %eq3A_223, %broadcast_in_dim3A_225, %select_n3A_208 : vector<512x2048xi1>, vector<512x2048xi32>
    %reduce_min3A_227 = arith.constant dense<2147483647> : vector<512xi32>
    %reduce_min3A_228 = vector.multi_reduction <minsi>, %select_n3A_226, %reduce_min3A_227 [1] : vector<512x2048xi32> to vector<512xi32>
    %broadcast_in_dim3A_229 = vector.shape_cast %reduce_min3A_228 : vector<512xi32> to vector<512x1xi32>
    %eq3A_230 = arith.constant 2048 : i32
    %eq3A_231 = vector.broadcast %eq3A_230 : i32 to vector<512x1xi32>
    %eq3A_232 = arith.cmpi eq, %broadcast_in_dim3A_229, %eq3A_231 : vector<512x1xi32>
    %select_n3A_233 = arith.select %eq3A_232, %broadcast_in_dim3A_36, %broadcast_in_dim3A_229 : vector<512x1xi1>, vector<512x1xi32>
    %eq3A_234 = arith.constant 11 : i32
    %eq3A_235 = vector.broadcast %eq3A_234 : i32 to vector<512x32xi32>
    %eq3A_236 = arith.cmpi eq, %iota3A_32, %eq3A_235 : vector<512x32xi32>
    %broadcast_in_dim3A_237 = vector.shape_cast %select_n3A_233 : vector<512x1xi32> to vector<512x1xi32>
    %broadcast_in_dim3A_238 = vector.broadcast %broadcast_in_dim3A_237 : vector<512x1xi32> to vector<512x32xi32>
    %select_n3A_239 = arith.select %eq3A_236, %broadcast_in_dim3A_238, %select_n3A_221 : vector<512x32xi1>, vector<512x32xi32>
    %eq3A_240 = vector.broadcast %broadcast_in_dim3A_229 : vector<512x1xi32> to vector<512x2048xi32>
    %eq3A_241 = arith.cmpi eq, %select_n3A_226, %eq3A_240 : vector<512x2048xi32>
    %jit3A_242 = arith.constant 2048 : i32
    %broadcast_in_dim3A_243 = vector.broadcast %jit3A_242 : i32 to vector<512x2048xi32>
    %select_n3A_244 = arith.select %eq3A_241, %broadcast_in_dim3A_243, %select_n3A_226 : vector<512x2048xi1>, vector<512x2048xi32>
    %reduce_min3A_245 = arith.constant dense<2147483647> : vector<512xi32>
    %reduce_min3A_246 = vector.multi_reduction <minsi>, %select_n3A_244, %reduce_min3A_245 [1] : vector<512x2048xi32> to vector<512xi32>
    %broadcast_in_dim3A_247 = vector.shape_cast %reduce_min3A_246 : vector<512xi32> to vector<512x1xi32>
    %eq3A_248 = arith.constant 2048 : i32
    %eq3A_249 = vector.broadcast %eq3A_248 : i32 to vector<512x1xi32>
    %eq3A_250 = arith.cmpi eq, %broadcast_in_dim3A_247, %eq3A_249 : vector<512x1xi32>
    %select_n3A_251 = arith.select %eq3A_250, %broadcast_in_dim3A_36, %broadcast_in_dim3A_247 : vector<512x1xi1>, vector<512x1xi32>
    %eq3A_252 = arith.constant 12 : i32
    %eq3A_253 = vector.broadcast %eq3A_252 : i32 to vector<512x32xi32>
    %eq3A_254 = arith.cmpi eq, %iota3A_32, %eq3A_253 : vector<512x32xi32>
    %broadcast_in_dim3A_255 = vector.shape_cast %select_n3A_251 : vector<512x1xi32> to vector<512x1xi32>
    %broadcast_in_dim3A_256 = vector.broadcast %broadcast_in_dim3A_255 : vector<512x1xi32> to vector<512x32xi32>
    %select_n3A_257 = arith.select %eq3A_254, %broadcast_in_dim3A_256, %select_n3A_239 : vector<512x32xi1>, vector<512x32xi32>
    %eq3A_258 = vector.broadcast %broadcast_in_dim3A_247 : vector<512x1xi32> to vector<512x2048xi32>
    %eq3A_259 = arith.cmpi eq, %select_n3A_244, %eq3A_258 : vector<512x2048xi32>
    %jit3A_260 = arith.constant 2048 : i32
    %broadcast_in_dim3A_261 = vector.broadcast %jit3A_260 : i32 to vector<512x2048xi32>
    %select_n3A_262 = arith.select %eq3A_259, %broadcast_in_dim3A_261, %select_n3A_244 : vector<512x2048xi1>, vector<512x2048xi32>
    %reduce_min3A_263 = arith.constant dense<2147483647> : vector<512xi32>
    %reduce_min3A_264 = vector.multi_reduction <minsi>, %select_n3A_262, %reduce_min3A_263 [1] : vector<512x2048xi32> to vector<512xi32>
    %broadcast_in_dim3A_265 = vector.shape_cast %reduce_min3A_264 : vector<512xi32> to vector<512x1xi32>
    %eq3A_266 = arith.constant 2048 : i32
    %eq3A_267 = vector.broadcast %eq3A_266 : i32 to vector<512x1xi32>
    %eq3A_268 = arith.cmpi eq, %broadcast_in_dim3A_265, %eq3A_267 : vector<512x1xi32>
    %select_n3A_269 = arith.select %eq3A_268, %broadcast_in_dim3A_36, %broadcast_in_dim3A_265 : vector<512x1xi1>, vector<512x1xi32>
    %eq3A_270 = arith.constant 13 : i32
    %eq3A_271 = vector.broadcast %eq3A_270 : i32 to vector<512x32xi32>
    %eq3A_272 = arith.cmpi eq, %iota3A_32, %eq3A_271 : vector<512x32xi32>
    %broadcast_in_dim3A_273 = vector.shape_cast %select_n3A_269 : vector<512x1xi32> to vector<512x1xi32>
    %broadcast_in_dim3A_274 = vector.broadcast %broadcast_in_dim3A_273 : vector<512x1xi32> to vector<512x32xi32>
    %select_n3A_275 = arith.select %eq3A_272, %broadcast_in_dim3A_274, %select_n3A_257 : vector<512x32xi1>, vector<512x32xi32>
    %eq3A_276 = vector.broadcast %broadcast_in_dim3A_265 : vector<512x1xi32> to vector<512x2048xi32>
    %eq3A_277 = arith.cmpi eq, %select_n3A_262, %eq3A_276 : vector<512x2048xi32>
    %jit3A_278 = arith.constant 2048 : i32
    %broadcast_in_dim3A_279 = vector.broadcast %jit3A_278 : i32 to vector<512x2048xi32>
    %select_n3A_280 = arith.select %eq3A_277, %broadcast_in_dim3A_279, %select_n3A_262 : vector<512x2048xi1>, vector<512x2048xi32>
    %reduce_min3A_281 = arith.constant dense<2147483647> : vector<512xi32>
    %reduce_min3A_282 = vector.multi_reduction <minsi>, %select_n3A_280, %reduce_min3A_281 [1] : vector<512x2048xi32> to vector<512xi32>
    %broadcast_in_dim3A_283 = vector.shape_cast %reduce_min3A_282 : vector<512xi32> to vector<512x1xi32>
    %eq3A_284 = arith.constant 2048 : i32
    %eq3A_285 = vector.broadcast %eq3A_284 : i32 to vector<512x1xi32>
    %eq3A_286 = arith.cmpi eq, %broadcast_in_dim3A_283, %eq3A_285 : vector<512x1xi32>
    %select_n3A_287 = arith.select %eq3A_286, %broadcast_in_dim3A_36, %broadcast_in_dim3A_283 : vector<512x1xi1>, vector<512x1xi32>
    %eq3A_288 = arith.constant 14 : i32
    %eq3A_289 = vector.broadcast %eq3A_288 : i32 to vector<512x32xi32>
    %eq3A_290 = arith.cmpi eq, %iota3A_32, %eq3A_289 : vector<512x32xi32>
    %broadcast_in_dim3A_291 = vector.shape_cast %select_n3A_287 : vector<512x1xi32> to vector<512x1xi32>
    %broadcast_in_dim3A_292 = vector.broadcast %broadcast_in_dim3A_291 : vector<512x1xi32> to vector<512x32xi32>
    %select_n3A_293 = arith.select %eq3A_290, %broadcast_in_dim3A_292, %select_n3A_275 : vector<512x32xi1>, vector<512x32xi32>
    %eq3A_294 = vector.broadcast %broadcast_in_dim3A_283 : vector<512x1xi32> to vector<512x2048xi32>
    %eq3A_295 = arith.cmpi eq, %select_n3A_280, %eq3A_294 : vector<512x2048xi32>
    %jit3A_296 = arith.constant 2048 : i32
    %broadcast_in_dim3A_297 = vector.broadcast %jit3A_296 : i32 to vector<512x2048xi32>
    %select_n3A_298 = arith.select %eq3A_295, %broadcast_in_dim3A_297, %select_n3A_280 : vector<512x2048xi1>, vector<512x2048xi32>
    %reduce_min3A_299 = arith.constant dense<2147483647> : vector<512xi32>
    %reduce_min3A_300 = vector.multi_reduction <minsi>, %select_n3A_298, %reduce_min3A_299 [1] : vector<512x2048xi32> to vector<512xi32>
    %broadcast_in_dim3A_301 = vector.shape_cast %reduce_min3A_300 : vector<512xi32> to vector<512x1xi32>
    %eq3A_302 = arith.constant 2048 : i32
    %eq3A_303 = vector.broadcast %eq3A_302 : i32 to vector<512x1xi32>
    %eq3A_304 = arith.cmpi eq, %broadcast_in_dim3A_301, %eq3A_303 : vector<512x1xi32>
    %select_n3A_305 = arith.select %eq3A_304, %broadcast_in_dim3A_36, %broadcast_in_dim3A_301 : vector<512x1xi1>, vector<512x1xi32>
    %eq3A_306 = arith.constant 15 : i32
    %eq3A_307 = vector.broadcast %eq3A_306 : i32 to vector<512x32xi32>
    %eq3A_308 = arith.cmpi eq, %iota3A_32, %eq3A_307 : vector<512x32xi32>
    %broadcast_in_dim3A_309 = vector.shape_cast %select_n3A_305 : vector<512x1xi32> to vector<512x1xi32>
    %broadcast_in_dim3A_310 = vector.broadcast %broadcast_in_dim3A_309 : vector<512x1xi32> to vector<512x32xi32>
    %select_n3A_311 = arith.select %eq3A_308, %broadcast_in_dim3A_310, %select_n3A_293 : vector<512x32xi1>, vector<512x32xi32>
    %eq3A_312 = vector.broadcast %broadcast_in_dim3A_301 : vector<512x1xi32> to vector<512x2048xi32>
    %eq3A_313 = arith.cmpi eq, %select_n3A_298, %eq3A_312 : vector<512x2048xi32>
    %jit3A_314 = arith.constant 2048 : i32
    %broadcast_in_dim3A_315 = vector.broadcast %jit3A_314 : i32 to vector<512x2048xi32>
    %select_n3A_316 = arith.select %eq3A_313, %broadcast_in_dim3A_315, %select_n3A_298 : vector<512x2048xi1>, vector<512x2048xi32>
    %reduce_min3A_317 = arith.constant dense<2147483647> : vector<512xi32>
    %reduce_min3A_318 = vector.multi_reduction <minsi>, %select_n3A_316, %reduce_min3A_317 [1] : vector<512x2048xi32> to vector<512xi32>
    %broadcast_in_dim3A_319 = vector.shape_cast %reduce_min3A_318 : vector<512xi32> to vector<512x1xi32>
    %eq3A_320 = arith.constant 2048 : i32
    %eq3A_321 = vector.broadcast %eq3A_320 : i32 to vector<512x1xi32>
    %eq3A_322 = arith.cmpi eq, %broadcast_in_dim3A_319, %eq3A_321 : vector<512x1xi32>
    %select_n3A_323 = arith.select %eq3A_322, %broadcast_in_dim3A_36, %broadcast_in_dim3A_319 : vector<512x1xi1>, vector<512x1xi32>
    %eq3A_324 = arith.constant 16 : i32
    %eq3A_325 = vector.broadcast %eq3A_324 : i32 to vector<512x32xi32>
    %eq3A_326 = arith.cmpi eq, %iota3A_32, %eq3A_325 : vector<512x32xi32>
    %broadcast_in_dim3A_327 = vector.shape_cast %select_n3A_323 : vector<512x1xi32> to vector<512x1xi32>
    %broadcast_in_dim3A_328 = vector.broadcast %broadcast_in_dim3A_327 : vector<512x1xi32> to vector<512x32xi32>
    %select_n3A_329 = arith.select %eq3A_326, %broadcast_in_dim3A_328, %select_n3A_311 : vector<512x32xi1>, vector<512x32xi32>
    %eq3A_330 = vector.broadcast %broadcast_in_dim3A_319 : vector<512x1xi32> to vector<512x2048xi32>
    %eq3A_331 = arith.cmpi eq, %select_n3A_316, %eq3A_330 : vector<512x2048xi32>
    %jit3A_332 = arith.constant 2048 : i32
    %broadcast_in_dim3A_333 = vector.broadcast %jit3A_332 : i32 to vector<512x2048xi32>
    %select_n3A_334 = arith.select %eq3A_331, %broadcast_in_dim3A_333, %select_n3A_316 : vector<512x2048xi1>, vector<512x2048xi32>
    %reduce_min3A_335 = arith.constant dense<2147483647> : vector<512xi32>
    %reduce_min3A_336 = vector.multi_reduction <minsi>, %select_n3A_334, %reduce_min3A_335 [1] : vector<512x2048xi32> to vector<512xi32>
    %broadcast_in_dim3A_337 = vector.shape_cast %reduce_min3A_336 : vector<512xi32> to vector<512x1xi32>
    %eq3A_338 = arith.constant 2048 : i32
    %eq3A_339 = vector.broadcast %eq3A_338 : i32 to vector<512x1xi32>
    %eq3A_340 = arith.cmpi eq, %broadcast_in_dim3A_337, %eq3A_339 : vector<512x1xi32>
    %select_n3A_341 = arith.select %eq3A_340, %broadcast_in_dim3A_36, %broadcast_in_dim3A_337 : vector<512x1xi1>, vector<512x1xi32>
    %eq3A_342 = arith.constant 17 : i32
    %eq3A_343 = vector.broadcast %eq3A_342 : i32 to vector<512x32xi32>
    %eq3A_344 = arith.cmpi eq, %iota3A_32, %eq3A_343 : vector<512x32xi32>
    %broadcast_in_dim3A_345 = vector.shape_cast %select_n3A_341 : vector<512x1xi32> to vector<512x1xi32>
    %broadcast_in_dim3A_346 = vector.broadcast %broadcast_in_dim3A_345 : vector<512x1xi32> to vector<512x32xi32>
    %select_n3A_347 = arith.select %eq3A_344, %broadcast_in_dim3A_346, %select_n3A_329 : vector<512x32xi1>, vector<512x32xi32>
    %eq3A_348 = vector.broadcast %broadcast_in_dim3A_337 : vector<512x1xi32> to vector<512x2048xi32>
    %eq3A_349 = arith.cmpi eq, %select_n3A_334, %eq3A_348 : vector<512x2048xi32>
    %jit3A_350 = arith.constant 2048 : i32
    %broadcast_in_dim3A_351 = vector.broadcast %jit3A_350 : i32 to vector<512x2048xi32>
    %select_n3A_352 = arith.select %eq3A_349, %broadcast_in_dim3A_351, %select_n3A_334 : vector<512x2048xi1>, vector<512x2048xi32>
    %reduce_min3A_353 = arith.constant dense<2147483647> : vector<512xi32>
    %reduce_min3A_354 = vector.multi_reduction <minsi>, %select_n3A_352, %reduce_min3A_353 [1] : vector<512x2048xi32> to vector<512xi32>
    %broadcast_in_dim3A_355 = vector.shape_cast %reduce_min3A_354 : vector<512xi32> to vector<512x1xi32>
    %eq3A_356 = arith.constant 2048 : i32
    %eq3A_357 = vector.broadcast %eq3A_356 : i32 to vector<512x1xi32>
    %eq3A_358 = arith.cmpi eq, %broadcast_in_dim3A_355, %eq3A_357 : vector<512x1xi32>
    %select_n3A_359 = arith.select %eq3A_358, %broadcast_in_dim3A_36, %broadcast_in_dim3A_355 : vector<512x1xi1>, vector<512x1xi32>
    %eq3A_360 = arith.constant 18 : i32
    %eq3A_361 = vector.broadcast %eq3A_360 : i32 to vector<512x32xi32>
    %eq3A_362 = arith.cmpi eq, %iota3A_32, %eq3A_361 : vector<512x32xi32>
    %broadcast_in_dim3A_363 = vector.shape_cast %select_n3A_359 : vector<512x1xi32> to vector<512x1xi32>
    %broadcast_in_dim3A_364 = vector.broadcast %broadcast_in_dim3A_363 : vector<512x1xi32> to vector<512x32xi32>
    %select_n3A_365 = arith.select %eq3A_362, %broadcast_in_dim3A_364, %select_n3A_347 : vector<512x32xi1>, vector<512x32xi32>
    %eq3A_366 = vector.broadcast %broadcast_in_dim3A_355 : vector<512x1xi32> to vector<512x2048xi32>
    %eq3A_367 = arith.cmpi eq, %select_n3A_352, %eq3A_366 : vector<512x2048xi32>
    %jit3A_368 = arith.constant 2048 : i32
    %broadcast_in_dim3A_369 = vector.broadcast %jit3A_368 : i32 to vector<512x2048xi32>
    %select_n3A_370 = arith.select %eq3A_367, %broadcast_in_dim3A_369, %select_n3A_352 : vector<512x2048xi1>, vector<512x2048xi32>
    %reduce_min3A_371 = arith.constant dense<2147483647> : vector<512xi32>
    %reduce_min3A_372 = vector.multi_reduction <minsi>, %select_n3A_370, %reduce_min3A_371 [1] : vector<512x2048xi32> to vector<512xi32>
    %broadcast_in_dim3A_373 = vector.shape_cast %reduce_min3A_372 : vector<512xi32> to vector<512x1xi32>
    %eq3A_374 = arith.constant 2048 : i32
    %eq3A_375 = vector.broadcast %eq3A_374 : i32 to vector<512x1xi32>
    %eq3A_376 = arith.cmpi eq, %broadcast_in_dim3A_373, %eq3A_375 : vector<512x1xi32>
    %select_n3A_377 = arith.select %eq3A_376, %broadcast_in_dim3A_36, %broadcast_in_dim3A_373 : vector<512x1xi1>, vector<512x1xi32>
    %eq3A_378 = arith.constant 19 : i32
    %eq3A_379 = vector.broadcast %eq3A_378 : i32 to vector<512x32xi32>
    %eq3A_380 = arith.cmpi eq, %iota3A_32, %eq3A_379 : vector<512x32xi32>
    %broadcast_in_dim3A_381 = vector.shape_cast %select_n3A_377 : vector<512x1xi32> to vector<512x1xi32>
    %broadcast_in_dim3A_382 = vector.broadcast %broadcast_in_dim3A_381 : vector<512x1xi32> to vector<512x32xi32>
    %select_n3A_383 = arith.select %eq3A_380, %broadcast_in_dim3A_382, %select_n3A_365 : vector<512x32xi1>, vector<512x32xi32>
    %eq3A_384 = vector.broadcast %broadcast_in_dim3A_373 : vector<512x1xi32> to vector<512x2048xi32>
    %eq3A_385 = arith.cmpi eq, %select_n3A_370, %eq3A_384 : vector<512x2048xi32>
    %jit3A_386 = arith.constant 2048 : i32
    %broadcast_in_dim3A_387 = vector.broadcast %jit3A_386 : i32 to vector<512x2048xi32>
    %select_n3A_388 = arith.select %eq3A_385, %broadcast_in_dim3A_387, %select_n3A_370 : vector<512x2048xi1>, vector<512x2048xi32>
    %reduce_min3A_389 = arith.constant dense<2147483647> : vector<512xi32>
    %reduce_min3A_390 = vector.multi_reduction <minsi>, %select_n3A_388, %reduce_min3A_389 [1] : vector<512x2048xi32> to vector<512xi32>
    %broadcast_in_dim3A_391 = vector.shape_cast %reduce_min3A_390 : vector<512xi32> to vector<512x1xi32>
    %eq3A_392 = arith.constant 2048 : i32
    %eq3A_393 = vector.broadcast %eq3A_392 : i32 to vector<512x1xi32>
    %eq3A_394 = arith.cmpi eq, %broadcast_in_dim3A_391, %eq3A_393 : vector<512x1xi32>
    %select_n3A_395 = arith.select %eq3A_394, %broadcast_in_dim3A_36, %broadcast_in_dim3A_391 : vector<512x1xi1>, vector<512x1xi32>
    %eq3A_396 = arith.constant 20 : i32
    %eq3A_397 = vector.broadcast %eq3A_396 : i32 to vector<512x32xi32>
    %eq3A_398 = arith.cmpi eq, %iota3A_32, %eq3A_397 : vector<512x32xi32>
    %broadcast_in_dim3A_399 = vector.shape_cast %select_n3A_395 : vector<512x1xi32> to vector<512x1xi32>
    %broadcast_in_dim3A_400 = vector.broadcast %broadcast_in_dim3A_399 : vector<512x1xi32> to vector<512x32xi32>
    %select_n3A_401 = arith.select %eq3A_398, %broadcast_in_dim3A_400, %select_n3A_383 : vector<512x32xi1>, vector<512x32xi32>
    %eq3A_402 = vector.broadcast %broadcast_in_dim3A_391 : vector<512x1xi32> to vector<512x2048xi32>
    %eq3A_403 = arith.cmpi eq, %select_n3A_388, %eq3A_402 : vector<512x2048xi32>
    %jit3A_404 = arith.constant 2048 : i32
    %broadcast_in_dim3A_405 = vector.broadcast %jit3A_404 : i32 to vector<512x2048xi32>
    %select_n3A_406 = arith.select %eq3A_403, %broadcast_in_dim3A_405, %select_n3A_388 : vector<512x2048xi1>, vector<512x2048xi32>
    %reduce_min3A_407 = arith.constant dense<2147483647> : vector<512xi32>
    %reduce_min3A_408 = vector.multi_reduction <minsi>, %select_n3A_406, %reduce_min3A_407 [1] : vector<512x2048xi32> to vector<512xi32>
    %broadcast_in_dim3A_409 = vector.shape_cast %reduce_min3A_408 : vector<512xi32> to vector<512x1xi32>
    %eq3A_410 = arith.constant 2048 : i32
    %eq3A_411 = vector.broadcast %eq3A_410 : i32 to vector<512x1xi32>
    %eq3A_412 = arith.cmpi eq, %broadcast_in_dim3A_409, %eq3A_411 : vector<512x1xi32>
    %select_n3A_413 = arith.select %eq3A_412, %broadcast_in_dim3A_36, %broadcast_in_dim3A_409 : vector<512x1xi1>, vector<512x1xi32>
    %eq3A_414 = arith.constant 21 : i32
    %eq3A_415 = vector.broadcast %eq3A_414 : i32 to vector<512x32xi32>
    %eq3A_416 = arith.cmpi eq, %iota3A_32, %eq3A_415 : vector<512x32xi32>
    %broadcast_in_dim3A_417 = vector.shape_cast %select_n3A_413 : vector<512x1xi32> to vector<512x1xi32>
    %broadcast_in_dim3A_418 = vector.broadcast %broadcast_in_dim3A_417 : vector<512x1xi32> to vector<512x32xi32>
    %select_n3A_419 = arith.select %eq3A_416, %broadcast_in_dim3A_418, %select_n3A_401 : vector<512x32xi1>, vector<512x32xi32>
    %eq3A_420 = vector.broadcast %broadcast_in_dim3A_409 : vector<512x1xi32> to vector<512x2048xi32>
    %eq3A_421 = arith.cmpi eq, %select_n3A_406, %eq3A_420 : vector<512x2048xi32>
    %jit3A_422 = arith.constant 2048 : i32
    %broadcast_in_dim3A_423 = vector.broadcast %jit3A_422 : i32 to vector<512x2048xi32>
    %select_n3A_424 = arith.select %eq3A_421, %broadcast_in_dim3A_423, %select_n3A_406 : vector<512x2048xi1>, vector<512x2048xi32>
    %reduce_min3A_425 = arith.constant dense<2147483647> : vector<512xi32>
    %reduce_min3A_426 = vector.multi_reduction <minsi>, %select_n3A_424, %reduce_min3A_425 [1] : vector<512x2048xi32> to vector<512xi32>
    %broadcast_in_dim3A_427 = vector.shape_cast %reduce_min3A_426 : vector<512xi32> to vector<512x1xi32>
    %eq3A_428 = arith.constant 2048 : i32
    %eq3A_429 = vector.broadcast %eq3A_428 : i32 to vector<512x1xi32>
    %eq3A_430 = arith.cmpi eq, %broadcast_in_dim3A_427, %eq3A_429 : vector<512x1xi32>
    %select_n3A_431 = arith.select %eq3A_430, %broadcast_in_dim3A_36, %broadcast_in_dim3A_427 : vector<512x1xi1>, vector<512x1xi32>
    %eq3A_432 = arith.constant 22 : i32
    %eq3A_433 = vector.broadcast %eq3A_432 : i32 to vector<512x32xi32>
    %eq3A_434 = arith.cmpi eq, %iota3A_32, %eq3A_433 : vector<512x32xi32>
    %broadcast_in_dim3A_435 = vector.shape_cast %select_n3A_431 : vector<512x1xi32> to vector<512x1xi32>
    %broadcast_in_dim3A_436 = vector.broadcast %broadcast_in_dim3A_435 : vector<512x1xi32> to vector<512x32xi32>
    %select_n3A_437 = arith.select %eq3A_434, %broadcast_in_dim3A_436, %select_n3A_419 : vector<512x32xi1>, vector<512x32xi32>
    %eq3A_438 = vector.broadcast %broadcast_in_dim3A_427 : vector<512x1xi32> to vector<512x2048xi32>
    %eq3A_439 = arith.cmpi eq, %select_n3A_424, %eq3A_438 : vector<512x2048xi32>
    %jit3A_440 = arith.constant 2048 : i32
    %broadcast_in_dim3A_441 = vector.broadcast %jit3A_440 : i32 to vector<512x2048xi32>
    %select_n3A_442 = arith.select %eq3A_439, %broadcast_in_dim3A_441, %select_n3A_424 : vector<512x2048xi1>, vector<512x2048xi32>
    %reduce_min3A_443 = arith.constant dense<2147483647> : vector<512xi32>
    %reduce_min3A_444 = vector.multi_reduction <minsi>, %select_n3A_442, %reduce_min3A_443 [1] : vector<512x2048xi32> to vector<512xi32>
    %broadcast_in_dim3A_445 = vector.shape_cast %reduce_min3A_444 : vector<512xi32> to vector<512x1xi32>
    %eq3A_446 = arith.constant 2048 : i32
    %eq3A_447 = vector.broadcast %eq3A_446 : i32 to vector<512x1xi32>
    %eq3A_448 = arith.cmpi eq, %broadcast_in_dim3A_445, %eq3A_447 : vector<512x1xi32>
    %select_n3A_449 = arith.select %eq3A_448, %broadcast_in_dim3A_36, %broadcast_in_dim3A_445 : vector<512x1xi1>, vector<512x1xi32>
    %eq3A_450 = arith.constant 23 : i32
    %eq3A_451 = vector.broadcast %eq3A_450 : i32 to vector<512x32xi32>
    %eq3A_452 = arith.cmpi eq, %iota3A_32, %eq3A_451 : vector<512x32xi32>
    %broadcast_in_dim3A_453 = vector.shape_cast %select_n3A_449 : vector<512x1xi32> to vector<512x1xi32>
    %broadcast_in_dim3A_454 = vector.broadcast %broadcast_in_dim3A_453 : vector<512x1xi32> to vector<512x32xi32>
    %select_n3A_455 = arith.select %eq3A_452, %broadcast_in_dim3A_454, %select_n3A_437 : vector<512x32xi1>, vector<512x32xi32>
    %eq3A_456 = vector.broadcast %broadcast_in_dim3A_445 : vector<512x1xi32> to vector<512x2048xi32>
    %eq3A_457 = arith.cmpi eq, %select_n3A_442, %eq3A_456 : vector<512x2048xi32>
    %jit3A_458 = arith.constant 2048 : i32
    %broadcast_in_dim3A_459 = vector.broadcast %jit3A_458 : i32 to vector<512x2048xi32>
    %select_n3A_460 = arith.select %eq3A_457, %broadcast_in_dim3A_459, %select_n3A_442 : vector<512x2048xi1>, vector<512x2048xi32>
    %reduce_min3A_461 = arith.constant dense<2147483647> : vector<512xi32>
    %reduce_min3A_462 = vector.multi_reduction <minsi>, %select_n3A_460, %reduce_min3A_461 [1] : vector<512x2048xi32> to vector<512xi32>
    %broadcast_in_dim3A_463 = vector.shape_cast %reduce_min3A_462 : vector<512xi32> to vector<512x1xi32>
    %eq3A_464 = arith.constant 2048 : i32
    %eq3A_465 = vector.broadcast %eq3A_464 : i32 to vector<512x1xi32>
    %eq3A_466 = arith.cmpi eq, %broadcast_in_dim3A_463, %eq3A_465 : vector<512x1xi32>
    %select_n3A_467 = arith.select %eq3A_466, %broadcast_in_dim3A_36, %broadcast_in_dim3A_463 : vector<512x1xi1>, vector<512x1xi32>
    %eq3A_468 = arith.constant 24 : i32
    %eq3A_469 = vector.broadcast %eq3A_468 : i32 to vector<512x32xi32>
    %eq3A_470 = arith.cmpi eq, %iota3A_32, %eq3A_469 : vector<512x32xi32>
    %broadcast_in_dim3A_471 = vector.shape_cast %select_n3A_467 : vector<512x1xi32> to vector<512x1xi32>
    %broadcast_in_dim3A_472 = vector.broadcast %broadcast_in_dim3A_471 : vector<512x1xi32> to vector<512x32xi32>
    %select_n3A_473 = arith.select %eq3A_470, %broadcast_in_dim3A_472, %select_n3A_455 : vector<512x32xi1>, vector<512x32xi32>
    %eq3A_474 = vector.broadcast %broadcast_in_dim3A_463 : vector<512x1xi32> to vector<512x2048xi32>
    %eq3A_475 = arith.cmpi eq, %select_n3A_460, %eq3A_474 : vector<512x2048xi32>
    %jit3A_476 = arith.constant 2048 : i32
    %broadcast_in_dim3A_477 = vector.broadcast %jit3A_476 : i32 to vector<512x2048xi32>
    %select_n3A_478 = arith.select %eq3A_475, %broadcast_in_dim3A_477, %select_n3A_460 : vector<512x2048xi1>, vector<512x2048xi32>
    %reduce_min3A_479 = arith.constant dense<2147483647> : vector<512xi32>
    %reduce_min3A_480 = vector.multi_reduction <minsi>, %select_n3A_478, %reduce_min3A_479 [1] : vector<512x2048xi32> to vector<512xi32>
    %broadcast_in_dim3A_481 = vector.shape_cast %reduce_min3A_480 : vector<512xi32> to vector<512x1xi32>
    %eq3A_482 = arith.constant 2048 : i32
    %eq3A_483 = vector.broadcast %eq3A_482 : i32 to vector<512x1xi32>
    %eq3A_484 = arith.cmpi eq, %broadcast_in_dim3A_481, %eq3A_483 : vector<512x1xi32>
    %select_n3A_485 = arith.select %eq3A_484, %broadcast_in_dim3A_36, %broadcast_in_dim3A_481 : vector<512x1xi1>, vector<512x1xi32>
    %eq3A_486 = arith.constant 25 : i32
    %eq3A_487 = vector.broadcast %eq3A_486 : i32 to vector<512x32xi32>
    %eq3A_488 = arith.cmpi eq, %iota3A_32, %eq3A_487 : vector<512x32xi32>
    %broadcast_in_dim3A_489 = vector.shape_cast %select_n3A_485 : vector<512x1xi32> to vector<512x1xi32>
    %broadcast_in_dim3A_490 = vector.broadcast %broadcast_in_dim3A_489 : vector<512x1xi32> to vector<512x32xi32>
    %select_n3A_491 = arith.select %eq3A_488, %broadcast_in_dim3A_490, %select_n3A_473 : vector<512x32xi1>, vector<512x32xi32>
    %eq3A_492 = vector.broadcast %broadcast_in_dim3A_481 : vector<512x1xi32> to vector<512x2048xi32>
    %eq3A_493 = arith.cmpi eq, %select_n3A_478, %eq3A_492 : vector<512x2048xi32>
    %jit3A_494 = arith.constant 2048 : i32
    %broadcast_in_dim3A_495 = vector.broadcast %jit3A_494 : i32 to vector<512x2048xi32>
    %select_n3A_496 = arith.select %eq3A_493, %broadcast_in_dim3A_495, %select_n3A_478 : vector<512x2048xi1>, vector<512x2048xi32>
    %reduce_min3A_497 = arith.constant dense<2147483647> : vector<512xi32>
    %reduce_min3A_498 = vector.multi_reduction <minsi>, %select_n3A_496, %reduce_min3A_497 [1] : vector<512x2048xi32> to vector<512xi32>
    %broadcast_in_dim3A_499 = vector.shape_cast %reduce_min3A_498 : vector<512xi32> to vector<512x1xi32>
    %eq3A_500 = arith.constant 2048 : i32
    %eq3A_501 = vector.broadcast %eq3A_500 : i32 to vector<512x1xi32>
    %eq3A_502 = arith.cmpi eq, %broadcast_in_dim3A_499, %eq3A_501 : vector<512x1xi32>
    %select_n3A_503 = arith.select %eq3A_502, %broadcast_in_dim3A_36, %broadcast_in_dim3A_499 : vector<512x1xi1>, vector<512x1xi32>
    %eq3A_504 = arith.constant 26 : i32
    %eq3A_505 = vector.broadcast %eq3A_504 : i32 to vector<512x32xi32>
    %eq3A_506 = arith.cmpi eq, %iota3A_32, %eq3A_505 : vector<512x32xi32>
    %broadcast_in_dim3A_507 = vector.shape_cast %select_n3A_503 : vector<512x1xi32> to vector<512x1xi32>
    %broadcast_in_dim3A_508 = vector.broadcast %broadcast_in_dim3A_507 : vector<512x1xi32> to vector<512x32xi32>
    %select_n3A_509 = arith.select %eq3A_506, %broadcast_in_dim3A_508, %select_n3A_491 : vector<512x32xi1>, vector<512x32xi32>
    %eq3A_510 = vector.broadcast %broadcast_in_dim3A_499 : vector<512x1xi32> to vector<512x2048xi32>
    %eq3A_511 = arith.cmpi eq, %select_n3A_496, %eq3A_510 : vector<512x2048xi32>
    %jit3A_512 = arith.constant 2048 : i32
    %broadcast_in_dim3A_513 = vector.broadcast %jit3A_512 : i32 to vector<512x2048xi32>
    %select_n3A_514 = arith.select %eq3A_511, %broadcast_in_dim3A_513, %select_n3A_496 : vector<512x2048xi1>, vector<512x2048xi32>
    %reduce_min3A_515 = arith.constant dense<2147483647> : vector<512xi32>
    %reduce_min3A_516 = vector.multi_reduction <minsi>, %select_n3A_514, %reduce_min3A_515 [1] : vector<512x2048xi32> to vector<512xi32>
    %broadcast_in_dim3A_517 = vector.shape_cast %reduce_min3A_516 : vector<512xi32> to vector<512x1xi32>
    %eq3A_518 = arith.constant 2048 : i32
    %eq3A_519 = vector.broadcast %eq3A_518 : i32 to vector<512x1xi32>
    %eq3A_520 = arith.cmpi eq, %broadcast_in_dim3A_517, %eq3A_519 : vector<512x1xi32>
    %select_n3A_521 = arith.select %eq3A_520, %broadcast_in_dim3A_36, %broadcast_in_dim3A_517 : vector<512x1xi1>, vector<512x1xi32>
    %eq3A_522 = arith.constant 27 : i32
    %eq3A_523 = vector.broadcast %eq3A_522 : i32 to vector<512x32xi32>
    %eq3A_524 = arith.cmpi eq, %iota3A_32, %eq3A_523 : vector<512x32xi32>
    %broadcast_in_dim3A_525 = vector.shape_cast %select_n3A_521 : vector<512x1xi32> to vector<512x1xi32>
    %broadcast_in_dim3A_526 = vector.broadcast %broadcast_in_dim3A_525 : vector<512x1xi32> to vector<512x32xi32>
    %select_n3A_527 = arith.select %eq3A_524, %broadcast_in_dim3A_526, %select_n3A_509 : vector<512x32xi1>, vector<512x32xi32>
    %eq3A_528 = vector.broadcast %broadcast_in_dim3A_517 : vector<512x1xi32> to vector<512x2048xi32>
    %eq3A_529 = arith.cmpi eq, %select_n3A_514, %eq3A_528 : vector<512x2048xi32>
    %jit3A_530 = arith.constant 2048 : i32
    %broadcast_in_dim3A_531 = vector.broadcast %jit3A_530 : i32 to vector<512x2048xi32>
    %select_n3A_532 = arith.select %eq3A_529, %broadcast_in_dim3A_531, %select_n3A_514 : vector<512x2048xi1>, vector<512x2048xi32>
    %reduce_min3A_533 = arith.constant dense<2147483647> : vector<512xi32>
    %reduce_min3A_534 = vector.multi_reduction <minsi>, %select_n3A_532, %reduce_min3A_533 [1] : vector<512x2048xi32> to vector<512xi32>
    %broadcast_in_dim3A_535 = vector.shape_cast %reduce_min3A_534 : vector<512xi32> to vector<512x1xi32>
    %eq3A_536 = arith.constant 2048 : i32
    %eq3A_537 = vector.broadcast %eq3A_536 : i32 to vector<512x1xi32>
    %eq3A_538 = arith.cmpi eq, %broadcast_in_dim3A_535, %eq3A_537 : vector<512x1xi32>
    %select_n3A_539 = arith.select %eq3A_538, %broadcast_in_dim3A_36, %broadcast_in_dim3A_535 : vector<512x1xi1>, vector<512x1xi32>
    %eq3A_540 = arith.constant 28 : i32
    %eq3A_541 = vector.broadcast %eq3A_540 : i32 to vector<512x32xi32>
    %eq3A_542 = arith.cmpi eq, %iota3A_32, %eq3A_541 : vector<512x32xi32>
    %broadcast_in_dim3A_543 = vector.shape_cast %select_n3A_539 : vector<512x1xi32> to vector<512x1xi32>
    %broadcast_in_dim3A_544 = vector.broadcast %broadcast_in_dim3A_543 : vector<512x1xi32> to vector<512x32xi32>
    %select_n3A_545 = arith.select %eq3A_542, %broadcast_in_dim3A_544, %select_n3A_527 : vector<512x32xi1>, vector<512x32xi32>
    %eq3A_546 = vector.broadcast %broadcast_in_dim3A_535 : vector<512x1xi32> to vector<512x2048xi32>
    %eq3A_547 = arith.cmpi eq, %select_n3A_532, %eq3A_546 : vector<512x2048xi32>
    %jit3A_548 = arith.constant 2048 : i32
    %broadcast_in_dim3A_549 = vector.broadcast %jit3A_548 : i32 to vector<512x2048xi32>
    %select_n3A_550 = arith.select %eq3A_547, %broadcast_in_dim3A_549, %select_n3A_532 : vector<512x2048xi1>, vector<512x2048xi32>
    %reduce_min3A_551 = arith.constant dense<2147483647> : vector<512xi32>
    %reduce_min3A_552 = vector.multi_reduction <minsi>, %select_n3A_550, %reduce_min3A_551 [1] : vector<512x2048xi32> to vector<512xi32>
    %broadcast_in_dim3A_553 = vector.shape_cast %reduce_min3A_552 : vector<512xi32> to vector<512x1xi32>
    %eq3A_554 = arith.constant 2048 : i32
    %eq3A_555 = vector.broadcast %eq3A_554 : i32 to vector<512x1xi32>
    %eq3A_556 = arith.cmpi eq, %broadcast_in_dim3A_553, %eq3A_555 : vector<512x1xi32>
    %select_n3A_557 = arith.select %eq3A_556, %broadcast_in_dim3A_36, %broadcast_in_dim3A_553 : vector<512x1xi1>, vector<512x1xi32>
    %eq3A_558 = arith.constant 29 : i32
    %eq3A_559 = vector.broadcast %eq3A_558 : i32 to vector<512x32xi32>
    %eq3A_560 = arith.cmpi eq, %iota3A_32, %eq3A_559 : vector<512x32xi32>
    %broadcast_in_dim3A_561 = vector.shape_cast %select_n3A_557 : vector<512x1xi32> to vector<512x1xi32>
    %broadcast_in_dim3A_562 = vector.broadcast %broadcast_in_dim3A_561 : vector<512x1xi32> to vector<512x32xi32>
    %select_n3A_563 = arith.select %eq3A_560, %broadcast_in_dim3A_562, %select_n3A_545 : vector<512x32xi1>, vector<512x32xi32>
    %eq3A_564 = vector.broadcast %broadcast_in_dim3A_553 : vector<512x1xi32> to vector<512x2048xi32>
    %eq3A_565 = arith.cmpi eq, %select_n3A_550, %eq3A_564 : vector<512x2048xi32>
    %jit3A_566 = arith.constant 2048 : i32
    %broadcast_in_dim3A_567 = vector.broadcast %jit3A_566 : i32 to vector<512x2048xi32>
    %select_n3A_568 = arith.select %eq3A_565, %broadcast_in_dim3A_567, %select_n3A_550 : vector<512x2048xi1>, vector<512x2048xi32>
    %reduce_min3A_569 = arith.constant dense<2147483647> : vector<512xi32>
    %reduce_min3A_570 = vector.multi_reduction <minsi>, %select_n3A_568, %reduce_min3A_569 [1] : vector<512x2048xi32> to vector<512xi32>
    %broadcast_in_dim3A_571 = vector.shape_cast %reduce_min3A_570 : vector<512xi32> to vector<512x1xi32>
    %eq3A_572 = arith.constant 2048 : i32
    %eq3A_573 = vector.broadcast %eq3A_572 : i32 to vector<512x1xi32>
    %eq3A_574 = arith.cmpi eq, %broadcast_in_dim3A_571, %eq3A_573 : vector<512x1xi32>
    %select_n3A_575 = arith.select %eq3A_574, %broadcast_in_dim3A_36, %broadcast_in_dim3A_571 : vector<512x1xi1>, vector<512x1xi32>
    %eq3A_576 = arith.constant 30 : i32
    %eq3A_577 = vector.broadcast %eq3A_576 : i32 to vector<512x32xi32>
    %eq3A_578 = arith.cmpi eq, %iota3A_32, %eq3A_577 : vector<512x32xi32>
    %broadcast_in_dim3A_579 = vector.shape_cast %select_n3A_575 : vector<512x1xi32> to vector<512x1xi32>
    %broadcast_in_dim3A_580 = vector.broadcast %broadcast_in_dim3A_579 : vector<512x1xi32> to vector<512x32xi32>
    %select_n3A_581 = arith.select %eq3A_578, %broadcast_in_dim3A_580, %select_n3A_563 : vector<512x32xi1>, vector<512x32xi32>
    %eq3A_582 = vector.broadcast %broadcast_in_dim3A_571 : vector<512x1xi32> to vector<512x2048xi32>
    %eq3A_583 = arith.cmpi eq, %select_n3A_568, %eq3A_582 : vector<512x2048xi32>
    %jit3A_584 = arith.constant 2048 : i32
    %broadcast_in_dim3A_585 = vector.broadcast %jit3A_584 : i32 to vector<512x2048xi32>
    %select_n3A_586 = arith.select %eq3A_583, %broadcast_in_dim3A_585, %select_n3A_568 : vector<512x2048xi1>, vector<512x2048xi32>
    %reduce_min3A_587 = arith.constant dense<2147483647> : vector<512xi32>
    %reduce_min3A_588 = vector.multi_reduction <minsi>, %select_n3A_586, %reduce_min3A_587 [1] : vector<512x2048xi32> to vector<512xi32>
    %broadcast_in_dim3A_589 = vector.shape_cast %reduce_min3A_588 : vector<512xi32> to vector<512x1xi32>
    %eq3A_590 = arith.constant 2048 : i32
    %eq3A_591 = vector.broadcast %eq3A_590 : i32 to vector<512x1xi32>
    %eq3A_592 = arith.cmpi eq, %broadcast_in_dim3A_589, %eq3A_591 : vector<512x1xi32>
    %select_n3A_593 = arith.select %eq3A_592, %broadcast_in_dim3A_36, %broadcast_in_dim3A_589 : vector<512x1xi1>, vector<512x1xi32>
    %eq3A_594 = arith.constant 31 : i32
    %eq3A_595 = vector.broadcast %eq3A_594 : i32 to vector<512x32xi32>
    %eq3A_596 = arith.cmpi eq, %iota3A_32, %eq3A_595 : vector<512x32xi32>
    %broadcast_in_dim3A_597 = vector.shape_cast %select_n3A_593 : vector<512x1xi32> to vector<512x1xi32>
    %broadcast_in_dim3A_598 = vector.broadcast %broadcast_in_dim3A_597 : vector<512x1xi32> to vector<512x32xi32>
    %select_n3A_599 = arith.select %eq3A_596, %broadcast_in_dim3A_598, %select_n3A_581 : vector<512x32xi1>, vector<512x32xi32>
    %swap3A = arith.constant 0 : index
    %swap3A_600 = arith.constant 0 : index
    %swap3A_601 = arith.constant 0 : index
    %swap3A_602 = vector.load %arg3[%swap3A, %swap3A_600, %swap3A_601] : memref<1x512x32xi32, #tpu.memory_space<vmem>>, vector<1x512x32xi32>
    %swap3A_603 = vector.shape_cast %swap3A_602 : vector<1x512x32xi32> to vector<512x32xi32>
    %swap3A_604 = vector.shape_cast %select_n3A_599 : vector<512x32xi32> to vector<1x512x32xi32>
    tpu.vector_store %arg3[%swap3A, %swap3A_600, %swap3A_601], %swap3A_604 {strides = array<i32>} : memref<1x512x32xi32, #tpu.memory_space<vmem>>, vector<1x512x32xi32>,
    return
  }
  func.func @transform_0(%arg0: i32) -> (i32, i32, i32) {
    %c0_i32 = arith.constant 0 : i32
    %c0_i32_0 = arith.constant 0 : i32
    %c0_i32_1 = arith.constant 0 : i32
    return %arg0, %c0_i32, %c0_i32_0 : i32, i32, i32
  }
  func.func @transform_1(%arg0: i32) -> (i32, i32, i32) {
    %c0_i32 = arith.constant 0 : i32
    %c0_i32_0 = arith.constant 0 : i32
    %c0_i32_1 = arith.constant 0 : i32
    return %arg0, %c0_i32, %c0_i32_0 : i32, i32, i32
  }
  func.func @transform_2(%arg0: i32) -> (i32, i32, i32) {
    %c0_i32 = arith.constant 0 : i32
    %c0_i32_0 = arith.constant 0 : i32
    %c0_i32_1 = arith.constant 0 : i32
    return %arg0, %c0_i32, %c0_i32_0 : i32, i32, i32
  }
}

module attributes {stable_mosaic.version = 14 : i64} {
  func.func @_g_body(%arg0: i32, %arg1: memref<1x8x2048xf32, #tpu.memory_space<vmem>>, %arg2: memref<1x128x2048xf32, #tpu.memory_space<vmem>>, %arg3: memref<8x128xf32, #tpu.memory_space<vmem>>, %arg4: memref<128x128xf32, #tpu.memory_space<vmem>>, %arg5: memref<1x2048x128xf32, #tpu.memory_space<vmem>>) attributes {dimension_semantics = [#tpu.dimension_semantics<arbitrary>], iteration_bounds = array<i64: 16>, scalar_prefetch = 0 : i64, scratch_operands = 0 : i64, tpu.core_type = #tpu.core_type<tc>, window_params = [{transform_indices = @transform_0, window_bounds = array<i64: 1, 8, 2048>}, {transform_indices = @transform_1, window_bounds = array<i64: 1, 128, 2048>}, {pipeline_mode = #tpu.pipeline_mode<synchronous>, transform_indices = @transform_2, window_bounds = array<i64: 8, 128>}, {pipeline_mode = #tpu.pipeline_mode<synchronous>, transform_indices = @transform_3, window_bounds = array<i64: 128, 128>}, {transform_indices = @transform_4, window_bounds = array<i64: 1, 2048, 128>}]} {
    %get3A = arith.constant 0 : index
    %get3A_0 = arith.constant 0 : index
    %get3A_1 = arith.constant 0 : index
    %get3A_2 = vector.load %arg1[%get3A, %get3A_0, %get3A_1] : memref<1x8x2048xf32, #tpu.memory_space<vmem>>, vector<1x8x2048xf32>
    %get3A_3 = vector.shape_cast %get3A_2 : vector<1x8x2048xf32> to vector<8x2048xf32>
    %get3A_4 = arith.constant 0 : index
    %get3A_5 = arith.constant 0 : index
    %get3A_6 = arith.constant 0 : index
    %get3A_7 = vector.load %arg2[%get3A_4, %get3A_5, %get3A_6] : memref<1x128x2048xf32, #tpu.memory_space<vmem>>, vector<1x128x2048xf32>
    %get3A_8 = vector.shape_cast %get3A_7 : vector<1x128x2048xf32> to vector<128x2048xf32>
    %get3A_9 = arith.constant 0 : index
    %get3A_10 = arith.constant 0 : index
    %get3A_11 = vector.load %arg3[%get3A_9, %get3A_10] : memref<8x128xf32, #tpu.memory_space<vmem>>, vector<8x128xf32>
    %convert_element_type3A = arith.truncf %get3A_3 : vector<8x2048xf32> to vector<8x2048xbf16>
    %convert_element_type3A_12 = arith.truncf %get3A_11 : vector<8x128xf32> to vector<8x128xbf16>
    %dot_general3A = arith.constant dense<0.000000e+00> : vector<2048x128xf32>
    %dot_general3A_13 = tpu.matmul %convert_element_type3A, %convert_element_type3A_12, %dot_general3A {dimension_numbers = #tpu.dot_dimension_numbers<[0], [0], [1], [1], [0, 1, 1, 1], [], []>, transpose_lhs_hint = false} : vector<8x2048xbf16>, vector<8x128xbf16>, vector<2048x128xf32> -> vector<2048x128xf32>
    %get3A_14 = arith.constant 0 : index
    %get3A_15 = arith.constant 0 : index
    %get3A_16 = vector.load %arg4[%get3A_14, %get3A_15] : memref<128x128xf32, #tpu.memory_space<vmem>>, vector<128x128xf32>
    %convert_element_type3A_17 = arith.truncf %get3A_8 : vector<128x2048xf32> to vector<128x2048xbf16>
    %convert_element_type3A_18 = arith.truncf %get3A_16 : vector<128x128xf32> to vector<128x128xbf16>
    %dot_general3A_19 = arith.constant dense<0.000000e+00> : vector<2048x128xf32>
    %dot_general3A_20 = tpu.matmul %convert_element_type3A_17, %convert_element_type3A_18, %dot_general3A_19 {dimension_numbers = #tpu.dot_dimension_numbers<[0], [0], [1], [1], [0, 1, 1, 1], [], []>, transpose_lhs_hint = false} : vector<128x2048xbf16>, vector<128x128xbf16>, vector<2048x128xf32> -> vector<2048x128xf32>
    %add3A = arith.addf %dot_general3A_13, %dot_general3A_20 : vector<2048x128xf32>
    %swap3A = arith.constant 0 : index
    %swap3A_21 = arith.constant 0 : index
    %swap3A_22 = arith.constant 0 : index
    %swap3A_23 = vector.load %arg5[%swap3A, %swap3A_21, %swap3A_22] : memref<1x2048x128xf32, #tpu.memory_space<vmem>>, vector<1x2048x128xf32>
    %swap3A_24 = vector.shape_cast %swap3A_23 : vector<1x2048x128xf32> to vector<2048x128xf32>
    %swap3A_25 = vector.shape_cast %add3A : vector<2048x128xf32> to vector<1x2048x128xf32>
    tpu.vector_store %arg5[%swap3A, %swap3A_21, %swap3A_22], %swap3A_25 {strides = array<i32>} : memref<1x2048x128xf32, #tpu.memory_space<vmem>>, vector<1x2048x128xf32>,
    return
  }
  func.func @transform_0(%arg0: i32) -> (i32, i32, i32) {
    %c0_i32 = arith.constant 0 : i32
    %c0_i32_0 = arith.constant 0 : i32
    %c0_i32_1 = arith.constant 0 : i32
    return %arg0, %c0_i32, %c0_i32_0 : i32, i32, i32
  }
  func.func @transform_1(%arg0: i32) -> (i32, i32, i32) {
    %c0_i32 = arith.constant 0 : i32
    %c0_i32_0 = arith.constant 0 : i32
    %c0_i32_1 = arith.constant 0 : i32
    return %arg0, %c0_i32, %c0_i32_0 : i32, i32, i32
  }
  func.func @transform_2(%arg0: i32) -> (i32, i32) {
    %c0_i32 = arith.constant 0 : i32
    %c0_i32_0 = arith.constant 0 : i32
    %c0_i32_1 = arith.constant 0 : i32
    return %c0_i32, %c0_i32_0 : i32, i32
  }
  func.func @transform_3(%arg0: i32) -> (i32, i32) {
    %c0_i32 = arith.constant 0 : i32
    %c0_i32_0 = arith.constant 0 : i32
    %c0_i32_1 = arith.constant 0 : i32
    return %c0_i32, %c0_i32_0 : i32, i32
  }
  func.func @transform_4(%arg0: i32) -> (i32, i32, i32) {
    %c0_i32 = arith.constant 0 : i32
    %c0_i32_0 = arith.constant 0 : i32
    %c0_i32_1 = arith.constant 0 : i32
    return %arg0, %c0_i32, %c0_i32_0 : i32, i32, i32
  }
}

module attributes {stable_mosaic.version = 14 : i64} {
  func.func @_time_body(%arg0: memref<16x256xf32, #tpu.memory_space<vmem>>, %arg1: memref<256x128xf32, #tpu.memory_space<vmem>>, %arg2: memref<1x128xf32, #tpu.memory_space<vmem>>, %arg3: memref<256x128xf32, #tpu.memory_space<vmem>>, %arg4: memref<1x128xf32, #tpu.memory_space<vmem>>, %arg5: memref<256x256xf32, #tpu.memory_space<vmem>>, %arg6: memref<1x256xf32, #tpu.memory_space<vmem>>, %arg7: memref<16x128xf32, #tpu.memory_space<vmem>>, %arg8: memref<16x128xf32, #tpu.memory_space<vmem>>, %arg9: memref<16x256xf32, #tpu.memory_space<vmem>>) attributes {dimension_semantics = [], scalar_prefetch = 0 : i64, scratch_operands = 0 : i64, tpu.core_type = #tpu.core_type<tc>} {
    %get3A = arith.constant 0 : index
    %get3A_0 = arith.constant 0 : index
    %get3A_1 = vector.load %arg0[%get3A, %get3A_0] : memref<16x256xf32, #tpu.memory_space<vmem>>, vector<16x256xf32>
    %mul3A = arith.constant 5.000000e-01 : f32
    %mul3A_2 = vector.broadcast %mul3A : f32 to vector<16x256xf32>
    %mul3A_3 = arith.mulf %mul3A_2, %get3A_1 : vector<16x256xf32>
    %mul3A_4 = arith.constant 0.707106769 : f32
    %mul3A_5 = vector.broadcast %mul3A_4 : f32 to vector<16x256xf32>
    %mul3A_6 = arith.mulf %get3A_1, %mul3A_5 : vector<16x256xf32>
    %erf3A = math.erf %mul3A_6 : vector<16x256xf32>
    %add3A = arith.constant 1.000000e+00 : f32
    %add3A_7 = vector.broadcast %add3A : f32 to vector<16x256xf32>
    %add3A_8 = arith.addf %add3A_7, %erf3A : vector<16x256xf32>
    %mul3A_9 = arith.mulf %mul3A_3, %add3A_8 : vector<16x256xf32>
    %get3A_10 = arith.constant 0 : index
    %get3A_11 = arith.constant 0 : index
    %get3A_12 = vector.load %arg1[%get3A_10, %get3A_11] : memref<256x128xf32, #tpu.memory_space<vmem>>, vector<256x128xf32>
    %convert_element_type3A = arith.truncf %mul3A_9 : vector<16x256xf32> to vector<16x256xbf16>
    %convert_element_type3A_13 = arith.truncf %get3A_12 : vector<256x128xf32> to vector<256x128xbf16>
    %dot_general3A = arith.constant dense<0.000000e+00> : vector<16x128xf32>
    %dot_general3A_14 = tpu.matmul %convert_element_type3A, %convert_element_type3A_13, %dot_general3A {dimension_numbers = #tpu.dot_dimension_numbers<[1], [0], [0], [1], [0, 0, 1, 1], [], []>, transpose_lhs_hint = false} : vector<16x256xbf16>, vector<256x128xbf16>, vector<16x128xf32> -> vector<16x128xf32>
    %get3A_15 = arith.constant 0 : index
    %get3A_16 = arith.constant 0 : index
    %get3A_17 = vector.load %arg2[%get3A_15, %get3A_16] : memref<1x128xf32, #tpu.memory_space<vmem>>, vector<1x128xf32>
    %broadcast_in_dim3A = arith.constant 1.000000e+00 : f32
    %broadcast_in_dim3A_18 = vector.broadcast %broadcast_in_dim3A : f32 to vector<16x1xf32>
    %dot_general3A_19 = arith.constant dense<0.000000e+00> : vector<16x128xf32>
    %dot_general3A_20 = tpu.matmul %broadcast_in_dim3A_18, %get3A_17, %dot_general3A_19 {dimension_numbers = #tpu.dot_dimension_numbers<[1], [0], [0], [1], [0, 0, 1, 1], [], []>, precision = #tpu.contract_precision<fp32>, transpose_lhs_hint = false} : vector<16x1xf32>, vector<1x128xf32>, vector<16x128xf32> -> vector<16x128xf32>
    %add3A_21 = arith.addf %dot_general3A_14, %dot_general3A_20 : vector<16x128xf32>
    %swap3A = arith.constant 0 : index
    %swap3A_22 = arith.constant 0 : index
    %swap3A_23 = vector.load %arg7[%swap3A, %swap3A_22] : memref<16x128xf32, #tpu.memory_space<vmem>>, vector<16x128xf32>
    tpu.vector_store %arg7[%swap3A, %swap3A_22], %add3A_21 {strides = array<i32>} : memref<16x128xf32, #tpu.memory_space<vmem>>, vector<16x128xf32>,
    %get3A_24 = arith.constant 0 : index
    %get3A_25 = arith.constant 0 : index
    %get3A_26 = vector.load %arg3[%get3A_24, %get3A_25] : memref<256x128xf32, #tpu.memory_space<vmem>>, vector<256x128xf32>
    %convert_element_type3A_27 = arith.truncf %mul3A_9 : vector<16x256xf32> to vector<16x256xbf16>
    %convert_element_type3A_28 = arith.truncf %get3A_26 : vector<256x128xf32> to vector<256x128xbf16>
    %dot_general3A_29 = arith.constant dense<0.000000e+00> : vector<16x128xf32>
    %dot_general3A_30 = tpu.matmul %convert_element_type3A_27, %convert_element_type3A_28, %dot_general3A_29 {dimension_numbers = #tpu.dot_dimension_numbers<[1], [0], [0], [1], [0, 0, 1, 1], [], []>, transpose_lhs_hint = false} : vector<16x256xbf16>, vector<256x128xbf16>, vector<16x128xf32> -> vector<16x128xf32>
    %get3A_31 = arith.constant 0 : index
    %get3A_32 = arith.constant 0 : index
    %get3A_33 = vector.load %arg4[%get3A_31, %get3A_32] : memref<1x128xf32, #tpu.memory_space<vmem>>, vector<1x128xf32>
    %broadcast_in_dim3A_34 = arith.constant 1.000000e+00 : f32
    %broadcast_in_dim3A_35 = vector.broadcast %broadcast_in_dim3A_34 : f32 to vector<16x1xf32>
    %dot_general3A_36 = arith.constant dense<0.000000e+00> : vector<16x128xf32>
    %dot_general3A_37 = tpu.matmul %broadcast_in_dim3A_35, %get3A_33, %dot_general3A_36 {dimension_numbers = #tpu.dot_dimension_numbers<[1], [0], [0], [1], [0, 0, 1, 1], [], []>, precision = #tpu.contract_precision<fp32>, transpose_lhs_hint = false} : vector<16x1xf32>, vector<1x128xf32>, vector<16x128xf32> -> vector<16x128xf32>
    %add3A_38 = arith.addf %dot_general3A_30, %dot_general3A_37 : vector<16x128xf32>
    %swap3A_39 = arith.constant 0 : index
    %swap3A_40 = arith.constant 0 : index
    %swap3A_41 = vector.load %arg8[%swap3A_39, %swap3A_40] : memref<16x128xf32, #tpu.memory_space<vmem>>, vector<16x128xf32>
    tpu.vector_store %arg8[%swap3A_39, %swap3A_40], %add3A_38 {strides = array<i32>} : memref<16x128xf32, #tpu.memory_space<vmem>>, vector<16x128xf32>,
    %get3A_42 = arith.constant 0 : index
    %get3A_43 = arith.constant 0 : index
    %get3A_44 = vector.load %arg5[%get3A_42, %get3A_43] : memref<256x256xf32, #tpu.memory_space<vmem>>, vector<256x256xf32>
    %convert_element_type3A_45 = arith.truncf %mul3A_9 : vector<16x256xf32> to vector<16x256xbf16>
    %convert_element_type3A_46 = arith.truncf %get3A_44 : vector<256x256xf32> to vector<256x256xbf16>
    %dot_general3A_47 = arith.constant dense<0.000000e+00> : vector<16x256xf32>
    %dot_general3A_48 = tpu.matmul %convert_element_type3A_45, %convert_element_type3A_46, %dot_general3A_47 {dimension_numbers = #tpu.dot_dimension_numbers<[1], [0], [0], [1], [0, 0, 1, 1], [], []>, transpose_lhs_hint = false} : vector<16x256xbf16>, vector<256x256xbf16>, vector<16x256xf32> -> vector<16x256xf32>
    %get3A_49 = arith.constant 0 : index
    %get3A_50 = arith.constant 0 : index
    %get3A_51 = vector.load %arg6[%get3A_49, %get3A_50] : memref<1x256xf32, #tpu.memory_space<vmem>>, vector<1x256xf32>
    %broadcast_in_dim3A_52 = arith.constant 1.000000e+00 : f32
    %broadcast_in_dim3A_53 = vector.broadcast %broadcast_in_dim3A_52 : f32 to vector<16x1xf32>
    %dot_general3A_54 = arith.constant dense<0.000000e+00> : vector<16x256xf32>
    %dot_general3A_55 = tpu.matmul %broadcast_in_dim3A_53, %get3A_51, %dot_general3A_54 {dimension_numbers = #tpu.dot_dimension_numbers<[1], [0], [0], [1], [0, 0, 1, 1], [], []>, precision = #tpu.contract_precision<fp32>, transpose_lhs_hint = false} : vector<16x1xf32>, vector<1x256xf32>, vector<16x256xf32> -> vector<16x256xf32>
    %add3A_56 = arith.addf %dot_general3A_48, %dot_general3A_55 : vector<16x256xf32>
    %swap3A_57 = arith.constant 0 : index
    %swap3A_58 = arith.constant 0 : index
    %swap3A_59 = vector.load %arg9[%swap3A_57, %swap3A_58] : memref<16x256xf32, #tpu.memory_space<vmem>>, vector<16x256xf32>
    tpu.vector_store %arg9[%swap3A_57, %swap3A_58], %add3A_56 {strides = array<i32>} : memref<16x256xf32, #tpu.memory_space<vmem>>, vector<16x256xf32>,
    return
  }
}

module attributes {stable_mosaic.version = 14 : i64} {
  func.func @_corr_body(%arg0: i32, %arg1: memref<1x8x512xf32, #tpu.memory_space<vmem>>, %arg2: memref<8x128xf32, #tpu.memory_space<vmem>>, %arg3: memref<1x1x128xf32, #tpu.memory_space<vmem>>, %arg4: memref<1x512x128xf32, #tpu.memory_space<vmem>>) attributes {dimension_semantics = [#tpu.dimension_semantics<arbitrary>], iteration_bounds = array<i64: 16>, scalar_prefetch = 0 : i64, scratch_operands = 0 : i64, tpu.core_type = #tpu.core_type<tc>, window_params = [{transform_indices = @transform_0, window_bounds = array<i64: 1, 8, 512>}, {pipeline_mode = #tpu.pipeline_mode<synchronous>, transform_indices = @transform_1, window_bounds = array<i64: 8, 128>}, {transform_indices = @transform_2, window_bounds = array<i64: 1, 1, 128>}, {transform_indices = @transform_3, window_bounds = array<i64: 1, 512, 128>}]} {
    %get3A = arith.constant 0 : index
    %get3A_0 = arith.constant 0 : index
    %get3A_1 = arith.constant 0 : index
    %get3A_2 = vector.load %arg1[%get3A, %get3A_0, %get3A_1] : memref<1x8x512xf32, #tpu.memory_space<vmem>>, vector<1x8x512xf32>
    %get3A_3 = vector.shape_cast %get3A_2 : vector<1x8x512xf32> to vector<8x512xf32>
    %get3A_4 = arith.constant 0 : index
    %get3A_5 = arith.constant 0 : index
    %get3A_6 = vector.load %arg2[%get3A_4, %get3A_5] : memref<8x128xf32, #tpu.memory_space<vmem>>, vector<8x128xf32>
    %convert_element_type3A = arith.truncf %get3A_3 : vector<8x512xf32> to vector<8x512xbf16>
    %convert_element_type3A_7 = arith.truncf %get3A_6 : vector<8x128xf32> to vector<8x128xbf16>
    %dot_general3A = arith.constant dense<0.000000e+00> : vector<512x128xf32>
    %dot_general3A_8 = tpu.matmul %convert_element_type3A, %convert_element_type3A_7, %dot_general3A {dimension_numbers = #tpu.dot_dimension_numbers<[0], [0], [1], [1], [0, 1, 1, 1], [], []>, transpose_lhs_hint = false} : vector<8x512xbf16>, vector<8x128xbf16>, vector<512x128xf32> -> vector<512x128xf32>
    %get3A_9 = arith.constant 0 : index
    %get3A_10 = arith.constant 0 : index
    %get3A_11 = arith.constant 0 : index
    %get3A_12 = vector.load %arg3[%get3A_9, %get3A_10, %get3A_11] : memref<1x1x128xf32, #tpu.memory_space<vmem>>, vector<1x1x128xf32>
    %get3A_13 = vector.shape_cast %get3A_12 : vector<1x1x128xf32> to vector<1x128xf32>
    %broadcast_in_dim3A = arith.constant 1.000000e+00 : f32
    %broadcast_in_dim3A_14 = vector.broadcast %broadcast_in_dim3A : f32 to vector<512x1xf32>
    %dot_general3A_15 = arith.constant dense<0.000000e+00> : vector<512x128xf32>
    %dot_general3A_16 = tpu.matmul %broadcast_in_dim3A_14, %get3A_13, %dot_general3A_15 {dimension_numbers = #tpu.dot_dimension_numbers<[1], [0], [0], [1], [0, 0, 1, 1], [], []>, precision = #tpu.contract_precision<fp32>, transpose_lhs_hint = false} : vector<512x1xf32>, vector<1x128xf32>, vector<512x128xf32> -> vector<512x128xf32>
    %sub3A = arith.subf %dot_general3A_16, %dot_general3A_8 : vector<512x128xf32>
    %swap3A = arith.constant 0 : index
    %swap3A_17 = arith.constant 0 : index
    %swap3A_18 = arith.constant 0 : index
    %swap3A_19 = vector.load %arg4[%swap3A, %swap3A_17, %swap3A_18] : memref<1x512x128xf32, #tpu.memory_space<vmem>>, vector<1x512x128xf32>
    %swap3A_20 = vector.shape_cast %swap3A_19 : vector<1x512x128xf32> to vector<512x128xf32>
    %swap3A_21 = vector.shape_cast %sub3A : vector<512x128xf32> to vector<1x512x128xf32>
    tpu.vector_store %arg4[%swap3A, %swap3A_17, %swap3A_18], %swap3A_21 {strides = array<i32>} : memref<1x512x128xf32, #tpu.memory_space<vmem>>, vector<1x512x128xf32>,
    return
  }
  func.func @transform_0(%arg0: i32) -> (i32, i32, i32) {
    %c0_i32 = arith.constant 0 : i32
    %c0_i32_0 = arith.constant 0 : i32
    %c0_i32_1 = arith.constant 0 : i32
    return %arg0, %c0_i32, %c0_i32_0 : i32, i32, i32
  }
  func.func @transform_1(%arg0: i32) -> (i32, i32) {
    %c0_i32 = arith.constant 0 : i32
    %c0_i32_0 = arith.constant 0 : i32
    %c0_i32_1 = arith.constant 0 : i32
    return %c0_i32, %c0_i32_0 : i32, i32
  }
  func.func @transform_2(%arg0: i32) -> (i32, i32, i32) {
    %c0_i32 = arith.constant 0 : i32
    %c0_i32_0 = arith.constant 0 : i32
    %c0_i32_1 = arith.constant 0 : i32
    return %arg0, %c0_i32, %c0_i32_0 : i32, i32, i32
  }
  func.func @transform_3(%arg0: i32) -> (i32, i32, i32) {
    %c0_i32 = arith.constant 0 : i32
    %c0_i32_0 = arith.constant 0 : i32
    %c0_i32_1 = arith.constant 0 : i32
    return %arg0, %c0_i32, %c0_i32_0 : i32, i32, i32
  }
}

module attributes {stable_mosaic.version = 14 : i64} {
  func.func @_stats0_body(%arg0: i32, %arg1: i32, %arg2: memref<1x1x2048x128xf32, #tpu.memory_space<vmem>>, %arg3: memref<1x1x64x128xf32, #tpu.memory_space<vmem>>, %arg4: memref<1x128xf32, #tpu.memory_space<vmem>>, %arg5: memref<1x128xf32, #tpu.memory_space<vmem>>) attributes {dimension_semantics = [#tpu.dimension_semantics<arbitrary>, #tpu.dimension_semantics<arbitrary>], iteration_bounds = array<i64: 16, 8>, scalar_prefetch = 0 : i64, scratch_operands = 0 : i64, tpu.core_type = #tpu.core_type<tc>, window_params = [{transform_indices = @transform_0, window_bounds = array<i64: 1, 1, 2048, 128>}, {transform_indices = @transform_1, window_bounds = array<i64: 1, 1, 64, 128>}, {pipeline_mode = #tpu.pipeline_mode<synchronous>, transform_indices = @transform_2, window_bounds = array<i64: 1, 128>}, {pipeline_mode = #tpu.pipeline_mode<synchronous>, transform_indices = @transform_3, window_bounds = array<i64: 1, 128>}]} {
    %iota3A = tpu.iota {dimensions = array<i32: 0>} : vector<2048x64xi32>
    %jit3A = arith.constant 32 : i32
    %div3A = vector.broadcast %jit3A : i32 to vector<2048x64xi32>
    %div3A_0 = arith.divsi %iota3A, %div3A : vector<2048x64xi32>
    %sign3A = arith.constant 0 : i32
    %sign3A_1 = vector.broadcast %sign3A : i32 to vector<2048x64xi32>
    %sign3A_2 = arith.cmpi sgt, %iota3A, %sign3A_1 : vector<2048x64xi32>
    %sign3A_3 = arith.extui %sign3A_2 : vector<2048x64xi1> to vector<2048x64xi32>
    %sign3A_4 = arith.constant 0 : i32
    %sign3A_5 = vector.broadcast %sign3A_4 : i32 to vector<2048x64xi32>
    %sign3A_6 = arith.cmpi slt, %iota3A, %sign3A_5 : vector<2048x64xi32>
    %sign3A_7 = arith.extui %sign3A_6 : vector<2048x64xi1> to vector<2048x64xi32>
    %sign3A_8 = arith.subi %sign3A_3, %sign3A_7 : vector<2048x64xi32>
    %sign3A_9 = arith.constant 0 : i32
    %sign3A_10 = arith.cmpi sgt, %jit3A, %sign3A_9 : i32
    %sign3A_11 = arith.extui %sign3A_10 : i1 to i32
    %sign3A_12 = arith.constant 0 : i32
    %sign3A_13 = arith.cmpi slt, %jit3A, %sign3A_12 : i32
    %sign3A_14 = arith.extui %sign3A_13 : i1 to i32
    %sign3A_15 = arith.subi %sign3A_11, %sign3A_14 : i32
    %ne3A = vector.broadcast %sign3A_15 : i32 to vector<2048x64xi32>
    %ne3A_16 = arith.cmpi ne, %sign3A_8, %ne3A : vector<2048x64xi32>
    %rem3A = vector.broadcast %jit3A : i32 to vector<2048x64xi32>
    %rem3A_17 = arith.remsi %iota3A, %rem3A : vector<2048x64xi32>
    %ne3A_18 = arith.constant 0 : i32
    %ne3A_19 = vector.broadcast %ne3A_18 : i32 to vector<2048x64xi32>
    %ne3A_20 = arith.cmpi ne, %rem3A_17, %ne3A_19 : vector<2048x64xi32>
    %and3A = arith.andi %ne3A_16, %ne3A_20 : vector<2048x64xi1>
    %sub3A = arith.constant 1 : i32
    %sub3A_21 = vector.broadcast %sub3A : i32 to vector<2048x64xi32>
    %sub3A_22 = arith.subi %div3A_0, %sub3A_21 : vector<2048x64xi32>
    %select_n3A = arith.select %and3A, %sub3A_22, %div3A_0 : vector<2048x64xi1>, vector<2048x64xi32>
    %iota3A_23 = tpu.iota {dimensions = array<i32: 1>} : vector<2048x64xi32>
    %eq3A = arith.cmpi eq, %select_n3A, %iota3A_23 : vector<2048x64xi32>
    %convert_element_type3A = arith.extui %eq3A : vector<2048x64xi1> to vector<2048x64xi32>
    %convert_element_type3A_24 = arith.sitofp %convert_element_type3A : vector<2048x64xi32> to vector<2048x64xf32>
    %get3A = arith.constant 0 : index
    %get3A_25 = arith.constant 0 : index
    %get3A_26 = arith.constant 0 : index
    %get3A_27 = arith.constant 0 : index
    %get3A_28 = vector.load %arg3[%get3A, %get3A_25, %get3A_26, %get3A_27] : memref<1x1x64x128xf32, #tpu.memory_space<vmem>>, vector<1x1x64x128xf32>
    %get3A_29 = vector.shape_cast %get3A_28 : vector<1x1x64x128xf32> to vector<64x128xf32>
    %dot_general3A = arith.constant dense<0.000000e+00> : vector<2048x128xf32>
    %dot_general3A_30 = tpu.matmul %convert_element_type3A_24, %get3A_29, %dot_general3A {dimension_numbers = #tpu.dot_dimension_numbers<[1], [0], [0], [1], [0, 0, 1, 1], [], []>, precision = #tpu.contract_precision<fp32>, transpose_lhs_hint = false} : vector<2048x64xf32>, vector<64x128xf32>, vector<2048x128xf32> -> vector<2048x128xf32>
    %get3A_31 = arith.constant 0 : index
    %get3A_32 = arith.constant 0 : index
    %get3A_33 = arith.constant 0 : index
    %get3A_34 = arith.constant 0 : index
    %get3A_35 = vector.load %arg2[%get3A_31, %get3A_32, %get3A_33, %get3A_34] : memref<1x1x2048x128xf32, #tpu.memory_space<vmem>>, vector<1x1x2048x128xf32>
    %get3A_36 = vector.shape_cast %get3A_35 : vector<1x1x2048x128xf32> to vector<2048x128xf32>
    %add3A = arith.addf %get3A_36, %dot_general3A_30 : vector<2048x128xf32>
    %mul3A = arith.constant 8 : i32
    %mul3A_37 = arith.muli %arg0, %mul3A : i32
    %add3A_38 = arith.addi %mul3A_37, %arg1 : i32
    %eq3A_39 = arith.constant 0 : i32
    %eq3A_40 = arith.cmpi eq, %add3A_38, %eq3A_39 : i32
    %convert_element_type3A_41 = arith.extui %eq3A_40 : i1 to i32
    %cond3A = arith.constant 0 : i32
    %cond3A_42 = arith.cmpi ne, %convert_element_type3A_41, %cond3A : i32
    scf.if %cond3A_42 {
      %broadcast_in_dim3A_61 = arith.constant 0.000000e+00 : f32
      %broadcast_in_dim3A_62 = vector.broadcast %broadcast_in_dim3A_61 : f32 to vector<1x128xf32>
      %swap3A_63 = arith.constant 0 : index
      %swap3A_64 = arith.constant 0 : index
      %swap3A_65 = vector.load %arg4[%swap3A_63, %swap3A_64] : memref<1x128xf32, #tpu.memory_space<vmem>>, vector<1x128xf32>
      tpu.vector_store %arg4[%swap3A_63, %swap3A_64], %broadcast_in_dim3A_62 {strides = array<i32>} : memref<1x128xf32, #tpu.memory_space<vmem>>, vector<1x128xf32>,
      %broadcast_in_dim3A_66 = arith.constant 0.000000e+00 : f32
      %broadcast_in_dim3A_67 = vector.broadcast %broadcast_in_dim3A_66 : f32 to vector<1x128xf32>
      %swap3A_68 = arith.constant 0 : index
      %swap3A_69 = arith.constant 0 : index
      %swap3A_70 = vector.load %arg5[%swap3A_68, %swap3A_69] : memref<1x128xf32, #tpu.memory_space<vmem>>, vector<1x128xf32>
      tpu.vector_store %arg5[%swap3A_68, %swap3A_69], %broadcast_in_dim3A_67 {strides = array<i32>} : memref<1x128xf32, #tpu.memory_space<vmem>>, vector<1x128xf32>,
    } else {
    }
    %get3A_43 = arith.constant 0 : index
    %get3A_44 = arith.constant 0 : index
    %get3A_45 = vector.load %arg4[%get3A_43, %get3A_44] : memref<1x128xf32, #tpu.memory_space<vmem>>, vector<1x128xf32>
    %reduce_sum3A = arith.constant dense<0.000000e+00> : vector<128xf32>
    %reduce_sum3A_46 = vector.multi_reduction <add>, %add3A, %reduce_sum3A [0] : vector<2048x128xf32> to vector<128xf32>
    %broadcast_in_dim3A = vector.shape_cast %reduce_sum3A_46 : vector<128xf32> to vector<1x128xf32>
    %add3A_47 = arith.addf %get3A_45, %broadcast_in_dim3A : vector<1x128xf32>
    %swap3A = arith.constant 0 : index
    %swap3A_48 = arith.constant 0 : index
    %swap3A_49 = vector.load %arg4[%swap3A, %swap3A_48] : memref<1x128xf32, #tpu.memory_space<vmem>>, vector<1x128xf32>
    tpu.vector_store %arg4[%swap3A, %swap3A_48], %add3A_47 {strides = array<i32>} : memref<1x128xf32, #tpu.memory_space<vmem>>, vector<1x128xf32>,
    %get3A_50 = arith.constant 0 : index
    %get3A_51 = arith.constant 0 : index
    %get3A_52 = vector.load %arg5[%get3A_50, %get3A_51] : memref<1x128xf32, #tpu.memory_space<vmem>>, vector<1x128xf32>
    %mul3A_53 = arith.mulf %add3A, %add3A : vector<2048x128xf32>
    %reduce_sum3A_54 = arith.constant dense<0.000000e+00> : vector<128xf32>
    %reduce_sum3A_55 = vector.multi_reduction <add>, %mul3A_53, %reduce_sum3A_54 [0] : vector<2048x128xf32> to vector<128xf32>
    %broadcast_in_dim3A_56 = vector.shape_cast %reduce_sum3A_55 : vector<128xf32> to vector<1x128xf32>
    %add3A_57 = arith.addf %get3A_52, %broadcast_in_dim3A_56 : vector<1x128xf32>
    %swap3A_58 = arith.constant 0 : index
    %swap3A_59 = arith.constant 0 : index
    %swap3A_60 = vector.load %arg5[%swap3A_58, %swap3A_59] : memref<1x128xf32, #tpu.memory_space<vmem>>, vector<1x128xf32>
    tpu.vector_store %arg5[%swap3A_58, %swap3A_59], %add3A_57 {strides = array<i32>} : memref<1x128xf32, #tpu.memory_space<vmem>>, vector<1x128xf32>,
    return
  }
  func.func @transform_0(%arg0: i32, %arg1: i32) -> (i32, i32, i32, i32) {
    %c0_i32 = arith.constant 0 : i32
    %c0_i32_0 = arith.constant 0 : i32
    %c0_i32_1 = arith.constant 0 : i32
    return %arg0, %arg1, %c0_i32, %c0_i32_0 : i32, i32, i32, i32
  }
  func.func @transform_1(%arg0: i32, %arg1: i32) -> (i32, i32, i32, i32) {
    %c0_i32 = arith.constant 0 : i32
    %c0_i32_0 = arith.constant 0 : i32
    %c0_i32_1 = arith.constant 0 : i32
    return %arg0, %arg1, %c0_i32, %c0_i32_0 : i32, i32, i32, i32
  }
  func.func @transform_2(%arg0: i32, %arg1: i32) -> (i32, i32) {
    %c0_i32 = arith.constant 0 : i32
    %c0_i32_0 = arith.constant 0 : i32
    %c0_i32_1 = arith.constant 0 : i32
    return %c0_i32, %c0_i32_0 : i32, i32
  }
  func.func @transform_3(%arg0: i32, %arg1: i32) -> (i32, i32) {
    %c0_i32 = arith.constant 0 : i32
    %c0_i32_0 = arith.constant 0 : i32
    %c0_i32_1 = arith.constant 0 : i32
    return %c0_i32, %c0_i32_0 : i32, i32
  }
}

module attributes {stable_mosaic.version = 14 : i64} {
  func.func @_layer1_body(%arg0: i32, %arg1: i32, %arg2: memref<1x1x2048x128xf32, #tpu.memory_space<vmem>>, %arg3: memref<1x1x64x128xf32, #tpu.memory_space<vmem>>, %arg4: memref<1x128xf32, #tpu.memory_space<vmem>>, %arg5: memref<1x128xf32, #tpu.memory_space<vmem>>, %arg6: memref<128x128xf32, #tpu.memory_space<vmem>>, %arg7: memref<1x1x128xf32, #tpu.memory_space<vmem>>, %arg8: memref<1x1x2048x128xf32, #tpu.memory_space<vmem>>, %arg9: memref<1x128xf32, #tpu.memory_space<vmem>>, %arg10: memref<1x128xf32, #tpu.memory_space<vmem>>) attributes {dimension_semantics = [#tpu.dimension_semantics<arbitrary>, #tpu.dimension_semantics<arbitrary>], iteration_bounds = array<i64: 16, 8>, scalar_prefetch = 0 : i64, scratch_operands = 0 : i64, tpu.core_type = #tpu.core_type<tc>, window_params = [{transform_indices = @transform_0, window_bounds = array<i64: 1, 1, 2048, 128>}, {transform_indices = @transform_1, window_bounds = array<i64: 1, 1, 64, 128>}, {pipeline_mode = #tpu.pipeline_mode<synchronous>, transform_indices = @transform_2, window_bounds = array<i64: 1, 128>}, {pipeline_mode = #tpu.pipeline_mode<synchronous>, transform_indices = @transform_3, window_bounds = array<i64: 1, 128>}, {pipeline_mode = #tpu.pipeline_mode<synchronous>, transform_indices = @transform_4, window_bounds = array<i64: 128, 128>}, {transform_indices = @transform_5, window_bounds = array<i64: 1, 1, 128>}, {transform_indices = @transform_6, window_bounds = array<i64: 1, 1, 2048, 128>}, {pipeline_mode = #tpu.pipeline_mode<synchronous>, transform_indices = @transform_7, window_bounds = array<i64: 1, 128>}, {pipeline_mode = #tpu.pipeline_mode<synchronous>, transform_indices = @transform_8, window_bounds = array<i64: 1, 128>}]} {
    %iota3A = tpu.iota {dimensions = array<i32: 0>} : vector<2048x64xi32>
    %jit3A = arith.constant 32 : i32
    %div3A = vector.broadcast %jit3A : i32 to vector<2048x64xi32>
    %div3A_0 = arith.divsi %iota3A, %div3A : vector<2048x64xi32>
    %sign3A = arith.constant 0 : i32
    %sign3A_1 = vector.broadcast %sign3A : i32 to vector<2048x64xi32>
    %sign3A_2 = arith.cmpi sgt, %iota3A, %sign3A_1 : vector<2048x64xi32>
    %sign3A_3 = arith.extui %sign3A_2 : vector<2048x64xi1> to vector<2048x64xi32>
    %sign3A_4 = arith.constant 0 : i32
    %sign3A_5 = vector.broadcast %sign3A_4 : i32 to vector<2048x64xi32>
    %sign3A_6 = arith.cmpi slt, %iota3A, %sign3A_5 : vector<2048x64xi32>
    %sign3A_7 = arith.extui %sign3A_6 : vector<2048x64xi1> to vector<2048x64xi32>
    %sign3A_8 = arith.subi %sign3A_3, %sign3A_7 : vector<2048x64xi32>
    %sign3A_9 = arith.constant 0 : i32
    %sign3A_10 = arith.cmpi sgt, %jit3A, %sign3A_9 : i32
    %sign3A_11 = arith.extui %sign3A_10 : i1 to i32
    %sign3A_12 = arith.constant 0 : i32
    %sign3A_13 = arith.cmpi slt, %jit3A, %sign3A_12 : i32
    %sign3A_14 = arith.extui %sign3A_13 : i1 to i32
    %sign3A_15 = arith.subi %sign3A_11, %sign3A_14 : i32
    %ne3A = vector.broadcast %sign3A_15 : i32 to vector<2048x64xi32>
    %ne3A_16 = arith.cmpi ne, %sign3A_8, %ne3A : vector<2048x64xi32>
    %rem3A = vector.broadcast %jit3A : i32 to vector<2048x64xi32>
    %rem3A_17 = arith.remsi %iota3A, %rem3A : vector<2048x64xi32>
    %ne3A_18 = arith.constant 0 : i32
    %ne3A_19 = vector.broadcast %ne3A_18 : i32 to vector<2048x64xi32>
    %ne3A_20 = arith.cmpi ne, %rem3A_17, %ne3A_19 : vector<2048x64xi32>
    %and3A = arith.andi %ne3A_16, %ne3A_20 : vector<2048x64xi1>
    %sub3A = arith.constant 1 : i32
    %sub3A_21 = vector.broadcast %sub3A : i32 to vector<2048x64xi32>
    %sub3A_22 = arith.subi %div3A_0, %sub3A_21 : vector<2048x64xi32>
    %select_n3A = arith.select %and3A, %sub3A_22, %div3A_0 : vector<2048x64xi1>, vector<2048x64xi32>
    %iota3A_23 = tpu.iota {dimensions = array<i32: 1>} : vector<2048x64xi32>
    %eq3A = arith.cmpi eq, %select_n3A, %iota3A_23 : vector<2048x64xi32>
    %convert_element_type3A = arith.extui %eq3A : vector<2048x64xi1> to vector<2048x64xi32>
    %convert_element_type3A_24 = arith.sitofp %convert_element_type3A : vector<2048x64xi32> to vector<2048x64xf32>
    %get3A = arith.constant 0 : index
    %get3A_25 = arith.constant 0 : index
    %get3A_26 = arith.constant 0 : index
    %get3A_27 = arith.constant 0 : index
    %get3A_28 = vector.load %arg3[%get3A, %get3A_25, %get3A_26, %get3A_27] : memref<1x1x64x128xf32, #tpu.memory_space<vmem>>, vector<1x1x64x128xf32>
    %get3A_29 = vector.shape_cast %get3A_28 : vector<1x1x64x128xf32> to vector<64x128xf32>
    %dot_general3A = arith.constant dense<0.000000e+00> : vector<2048x128xf32>
    %dot_general3A_30 = tpu.matmul %convert_element_type3A_24, %get3A_29, %dot_general3A {dimension_numbers = #tpu.dot_dimension_numbers<[1], [0], [0], [1], [0, 0, 1, 1], [], []>, precision = #tpu.contract_precision<fp32>, transpose_lhs_hint = false} : vector<2048x64xf32>, vector<64x128xf32>, vector<2048x128xf32> -> vector<2048x128xf32>
    %get3A_31 = arith.constant 0 : index
    %get3A_32 = arith.constant 0 : index
    %get3A_33 = arith.constant 0 : index
    %get3A_34 = arith.constant 0 : index
    %get3A_35 = vector.load %arg2[%get3A_31, %get3A_32, %get3A_33, %get3A_34] : memref<1x1x2048x128xf32, #tpu.memory_space<vmem>>, vector<1x1x2048x128xf32>
    %get3A_36 = vector.shape_cast %get3A_35 : vector<1x1x2048x128xf32> to vector<2048x128xf32>
    %add3A = arith.addf %get3A_36, %dot_general3A_30 : vector<2048x128xf32>
    %get3A_37 = arith.constant 0 : index
    %get3A_38 = arith.constant 0 : index
    %get3A_39 = vector.load %arg4[%get3A_37, %get3A_38] : memref<1x128xf32, #tpu.memory_space<vmem>>, vector<1x128xf32>
    %broadcast_in_dim3A = arith.constant 1.000000e+00 : f32
    %broadcast_in_dim3A_40 = vector.broadcast %broadcast_in_dim3A : f32 to vector<2048x1xf32>
    %dot_general3A_41 = arith.constant dense<0.000000e+00> : vector<2048x128xf32>
    %dot_general3A_42 = tpu.matmul %broadcast_in_dim3A_40, %get3A_39, %dot_general3A_41 {dimension_numbers = #tpu.dot_dimension_numbers<[1], [0], [0], [1], [0, 0, 1, 1], [], []>, precision = #tpu.contract_precision<fp32>, transpose_lhs_hint = false} : vector<2048x1xf32>, vector<1x128xf32>, vector<2048x128xf32> -> vector<2048x128xf32>
    %mul3A = arith.mulf %add3A, %dot_general3A_42 : vector<2048x128xf32>
    %get3A_43 = arith.constant 0 : index
    %get3A_44 = arith.constant 0 : index
    %get3A_45 = vector.load %arg5[%get3A_43, %get3A_44] : memref<1x128xf32, #tpu.memory_space<vmem>>, vector<1x128xf32>
    %broadcast_in_dim3A_46 = arith.constant 1.000000e+00 : f32
    %broadcast_in_dim3A_47 = vector.broadcast %broadcast_in_dim3A_46 : f32 to vector<2048x1xf32>
    %dot_general3A_48 = arith.constant dense<0.000000e+00> : vector<2048x128xf32>
    %dot_general3A_49 = tpu.matmul %broadcast_in_dim3A_47, %get3A_45, %dot_general3A_48 {dimension_numbers = #tpu.dot_dimension_numbers<[1], [0], [0], [1], [0, 0, 1, 1], [], []>, precision = #tpu.contract_precision<fp32>, transpose_lhs_hint = false} : vector<2048x1xf32>, vector<1x128xf32>, vector<2048x128xf32> -> vector<2048x128xf32>
    %add3A_50 = arith.addf %mul3A, %dot_general3A_49 : vector<2048x128xf32>
    %mul3A_51 = arith.constant 5.000000e-01 : f32
    %mul3A_52 = vector.broadcast %mul3A_51 : f32 to vector<2048x128xf32>
    %mul3A_53 = arith.mulf %mul3A_52, %add3A_50 : vector<2048x128xf32>
    %mul3A_54 = arith.constant 0.707106769 : f32
    %mul3A_55 = vector.broadcast %mul3A_54 : f32 to vector<2048x128xf32>
    %mul3A_56 = arith.mulf %add3A_50, %mul3A_55 : vector<2048x128xf32>
    %erf3A = math.erf %mul3A_56 : vector<2048x128xf32>
    %add3A_57 = arith.constant 1.000000e+00 : f32
    %add3A_58 = vector.broadcast %add3A_57 : f32 to vector<2048x128xf32>
    %add3A_59 = arith.addf %add3A_58, %erf3A : vector<2048x128xf32>
    %mul3A_60 = arith.mulf %mul3A_53, %add3A_59 : vector<2048x128xf32>
    %get3A_61 = arith.constant 0 : index
    %get3A_62 = arith.constant 0 : index
    %get3A_63 = vector.load %arg6[%get3A_61, %get3A_62] : memref<128x128xf32, #tpu.memory_space<vmem>>, vector<128x128xf32>
    %convert_element_type3A_64 = arith.truncf %mul3A_60 : vector<2048x128xf32> to vector<2048x128xbf16>
    %convert_element_type3A_65 = arith.truncf %get3A_63 : vector<128x128xf32> to vector<128x128xbf16>
    %dot_general3A_66 = arith.constant dense<0.000000e+00> : vector<2048x128xf32>
    %dot_general3A_67 = tpu.matmul %convert_element_type3A_64, %convert_element_type3A_65, %dot_general3A_66 {dimension_numbers = #tpu.dot_dimension_numbers<[1], [0], [0], [1], [0, 0, 1, 1], [], []>, transpose_lhs_hint = false} : vector<2048x128xbf16>, vector<128x128xbf16>, vector<2048x128xf32> -> vector<2048x128xf32>
    %get3A_68 = arith.constant 0 : index
    %get3A_69 = arith.constant 0 : index
    %get3A_70 = arith.constant 0 : index
    %get3A_71 = vector.load %arg7[%get3A_68, %get3A_69, %get3A_70] : memref<1x1x128xf32, #tpu.memory_space<vmem>>, vector<1x1x128xf32>
    %get3A_72 = vector.shape_cast %get3A_71 : vector<1x1x128xf32> to vector<1x128xf32>
    %broadcast_in_dim3A_73 = arith.constant 1.000000e+00 : f32
    %broadcast_in_dim3A_74 = vector.broadcast %broadcast_in_dim3A_73 : f32 to vector<2048x1xf32>
    %dot_general3A_75 = arith.constant dense<0.000000e+00> : vector<2048x128xf32>
    %dot_general3A_76 = tpu.matmul %broadcast_in_dim3A_74, %get3A_72, %dot_general3A_75 {dimension_numbers = #tpu.dot_dimension_numbers<[1], [0], [0], [1], [0, 0, 1, 1], [], []>, precision = #tpu.contract_precision<fp32>, transpose_lhs_hint = false} : vector<2048x1xf32>, vector<1x128xf32>, vector<2048x128xf32> -> vector<2048x128xf32>
    %add3A_77 = arith.addf %dot_general3A_67, %dot_general3A_76 : vector<2048x128xf32>
    %swap3A = arith.constant 0 : index
    %swap3A_78 = arith.constant 0 : index
    %swap3A_79 = arith.constant 0 : index
    %swap3A_80 = arith.constant 0 : index
    %swap3A_81 = vector.load %arg8[%swap3A, %swap3A_78, %swap3A_79, %swap3A_80] : memref<1x1x2048x128xf32, #tpu.memory_space<vmem>>, vector<1x1x2048x128xf32>
    %swap3A_82 = vector.shape_cast %swap3A_81 : vector<1x1x2048x128xf32> to vector<2048x128xf32>
    %swap3A_83 = vector.shape_cast %add3A_77 : vector<2048x128xf32> to vector<1x1x2048x128xf32>
    tpu.vector_store %arg8[%swap3A, %swap3A_78, %swap3A_79, %swap3A_80], %swap3A_83 {strides = array<i32>} : memref<1x1x2048x128xf32, #tpu.memory_space<vmem>>, vector<1x1x2048x128xf32>,
    %mul3A_84 = arith.constant 8 : i32
    %mul3A_85 = arith.muli %arg0, %mul3A_84 : i32
    %add3A_86 = arith.addi %mul3A_85, %arg1 : i32
    %eq3A_87 = arith.constant 0 : i32
    %eq3A_88 = arith.cmpi eq, %add3A_86, %eq3A_87 : i32
    %convert_element_type3A_89 = arith.extui %eq3A_88 : i1 to i32
    %cond3A = arith.constant 0 : i32
    %cond3A_90 = arith.cmpi ne, %convert_element_type3A_89, %cond3A : i32
    scf.if %cond3A_90 {
      %broadcast_in_dim3A_111 = arith.constant 0.000000e+00 : f32
      %broadcast_in_dim3A_112 = vector.broadcast %broadcast_in_dim3A_111 : f32 to vector<1x128xf32>
      %swap3A_113 = arith.constant 0 : index
      %swap3A_114 = arith.constant 0 : index
      %swap3A_115 = vector.load %arg9[%swap3A_113, %swap3A_114] : memref<1x128xf32, #tpu.memory_space<vmem>>, vector<1x128xf32>
      tpu.vector_store %arg9[%swap3A_113, %swap3A_114], %broadcast_in_dim3A_112 {strides = array<i32>} : memref<1x128xf32, #tpu.memory_space<vmem>>, vector<1x128xf32>,
      %broadcast_in_dim3A_116 = arith.constant 0.000000e+00 : f32
      %broadcast_in_dim3A_117 = vector.broadcast %broadcast_in_dim3A_116 : f32 to vector<1x128xf32>
      %swap3A_118 = arith.constant 0 : index
      %swap3A_119 = arith.constant 0 : index
      %swap3A_120 = vector.load %arg10[%swap3A_118, %swap3A_119] : memref<1x128xf32, #tpu.memory_space<vmem>>, vector<1x128xf32>
      tpu.vector_store %arg10[%swap3A_118, %swap3A_119], %broadcast_in_dim3A_117 {strides = array<i32>} : memref<1x128xf32, #tpu.memory_space<vmem>>, vector<1x128xf32>,
    } else {
    }
    %get3A_91 = arith.constant 0 : index
    %get3A_92 = arith.constant 0 : index
    %get3A_93 = vector.load %arg9[%get3A_91, %get3A_92] : memref<1x128xf32, #tpu.memory_space<vmem>>, vector<1x128xf32>
    %reduce_sum3A = arith.constant dense<0.000000e+00> : vector<128xf32>
    %reduce_sum3A_94 = vector.multi_reduction <add>, %add3A_77, %reduce_sum3A [0] : vector<2048x128xf32> to vector<128xf32>
    %broadcast_in_dim3A_95 = vector.shape_cast %reduce_sum3A_94 : vector<128xf32> to vector<1x128xf32>
    %add3A_96 = arith.addf %get3A_93, %broadcast_in_dim3A_95 : vector<1x128xf32>
    %swap3A_97 = arith.constant 0 : index
    %swap3A_98 = arith.constant 0 : index
    %swap3A_99 = vector.load %arg9[%swap3A_97, %swap3A_98] : memref<1x128xf32, #tpu.memory_space<vmem>>, vector<1x128xf32>
    tpu.vector_store %arg9[%swap3A_97, %swap3A_98], %add3A_96 {strides = array<i32>} : memref<1x128xf32, #tpu.memory_space<vmem>>, vector<1x128xf32>,
    %get3A_100 = arith.constant 0 : index
    %get3A_101 = arith.constant 0 : index
    %get3A_102 = vector.load %arg10[%get3A_100, %get3A_101] : memref<1x128xf32, #tpu.memory_space<vmem>>, vector<1x128xf32>
    %mul3A_103 = arith.mulf %add3A_77, %add3A_77 : vector<2048x128xf32>
    %reduce_sum3A_104 = arith.constant dense<0.000000e+00> : vector<128xf32>
    %reduce_sum3A_105 = vector.multi_reduction <add>, %mul3A_103, %reduce_sum3A_104 [0] : vector<2048x128xf32> to vector<128xf32>
    %broadcast_in_dim3A_106 = vector.shape_cast %reduce_sum3A_105 : vector<128xf32> to vector<1x128xf32>
    %add3A_107 = arith.addf %get3A_102, %broadcast_in_dim3A_106 : vector<1x128xf32>
    %swap3A_108 = arith.constant 0 : index
    %swap3A_109 = arith.constant 0 : index
    %swap3A_110 = vector.load %arg10[%swap3A_108, %swap3A_109] : memref<1x128xf32, #tpu.memory_space<vmem>>, vector<1x128xf32>
    tpu.vector_store %arg10[%swap3A_108, %swap3A_109], %add3A_107 {strides = array<i32>} : memref<1x128xf32, #tpu.memory_space<vmem>>, vector<1x128xf32>,
    return
  }
  func.func @transform_0(%arg0: i32, %arg1: i32) -> (i32, i32, i32, i32) {
    %c0_i32 = arith.constant 0 : i32
    %c0_i32_0 = arith.constant 0 : i32
    %c0_i32_1 = arith.constant 0 : i32
    return %arg0, %arg1, %c0_i32, %c0_i32_0 : i32, i32, i32, i32
  }
  func.func @transform_1(%arg0: i32, %arg1: i32) -> (i32, i32, i32, i32) {
    %c0_i32 = arith.constant 0 : i32
    %c0_i32_0 = arith.constant 0 : i32
    %c0_i32_1 = arith.constant 0 : i32
    return %arg0, %arg1, %c0_i32, %c0_i32_0 : i32, i32, i32, i32
  }
  func.func @transform_2(%arg0: i32, %arg1: i32) -> (i32, i32) {
    %c0_i32 = arith.constant 0 : i32
    %c0_i32_0 = arith.constant 0 : i32
    %c0_i32_1 = arith.constant 0 : i32
    return %c0_i32, %c0_i32_0 : i32, i32
  }
  func.func @transform_3(%arg0: i32, %arg1: i32) -> (i32, i32) {
    %c0_i32 = arith.constant 0 : i32
    %c0_i32_0 = arith.constant 0 : i32
    %c0_i32_1 = arith.constant 0 : i32
    return %c0_i32, %c0_i32_0 : i32, i32
  }
  func.func @transform_4(%arg0: i32, %arg1: i32) -> (i32, i32) {
    %c0_i32 = arith.constant 0 : i32
    %c0_i32_0 = arith.constant 0 : i32
    %c0_i32_1 = arith.constant 0 : i32
    return %c0_i32, %c0_i32_0 : i32, i32
  }
  func.func @transform_5(%arg0: i32, %arg1: i32) -> (i32, i32, i32) {
    %c0_i32 = arith.constant 0 : i32
    %c0_i32_0 = arith.constant 0 : i32
    %c0_i32_1 = arith.constant 0 : i32
    return %arg0, %c0_i32, %c0_i32_0 : i32, i32, i32
  }
  func.func @transform_6(%arg0: i32, %arg1: i32) -> (i32, i32, i32, i32) {
    %c0_i32 = arith.constant 0 : i32
    %c0_i32_0 = arith.constant 0 : i32
    %c0_i32_1 = arith.constant 0 : i32
    return %arg0, %arg1, %c0_i32, %c0_i32_0 : i32, i32, i32, i32
  }
  func.func @transform_7(%arg0: i32, %arg1: i32) -> (i32, i32) {
    %c0_i32 = arith.constant 0 : i32
    %c0_i32_0 = arith.constant 0 : i32
    %c0_i32_1 = arith.constant 0 : i32
    return %c0_i32, %c0_i32_0 : i32, i32
  }
  func.func @transform_8(%arg0: i32, %arg1: i32) -> (i32, i32) {
    %c0_i32 = arith.constant 0 : i32
    %c0_i32_0 = arith.constant 0 : i32
    %c0_i32_1 = arith.constant 0 : i32
    return %c0_i32, %c0_i32_0 : i32, i32
  }
}

module attributes {stable_mosaic.version = 14 : i64} {
  func.func @_layer2_body(%arg0: i32, %arg1: i32, %arg2: memref<1x1x2048x128xf32, #tpu.memory_space<vmem>>, %arg3: memref<1x128xf32, #tpu.memory_space<vmem>>, %arg4: memref<1x128xf32, #tpu.memory_space<vmem>>, %arg5: memref<128x256xf32, #tpu.memory_space<vmem>>, %arg6: memref<1x1x256xf32, #tpu.memory_space<vmem>>, %arg7: memref<1x1x2048x256xf32, #tpu.memory_space<vmem>>, %arg8: memref<1x256xf32, #tpu.memory_space<vmem>>, %arg9: memref<1x256xf32, #tpu.memory_space<vmem>>) attributes {dimension_semantics = [#tpu.dimension_semantics<arbitrary>, #tpu.dimension_semantics<arbitrary>], iteration_bounds = array<i64: 16, 8>, scalar_prefetch = 0 : i64, scratch_operands = 0 : i64, tpu.core_type = #tpu.core_type<tc>, window_params = [{transform_indices = @transform_0, window_bounds = array<i64: 1, 1, 2048, 128>}, {pipeline_mode = #tpu.pipeline_mode<synchronous>, transform_indices = @transform_1, window_bounds = array<i64: 1, 128>}, {pipeline_mode = #tpu.pipeline_mode<synchronous>, transform_indices = @transform_2, window_bounds = array<i64: 1, 128>}, {pipeline_mode = #tpu.pipeline_mode<synchronous>, transform_indices = @transform_3, window_bounds = array<i64: 128, 256>}, {transform_indices = @transform_4, window_bounds = array<i64: 1, 1, 256>}, {transform_indices = @transform_5, window_bounds = array<i64: 1, 1, 2048, 256>}, {pipeline_mode = #tpu.pipeline_mode<synchronous>, transform_indices = @transform_6, window_bounds = array<i64: 1, 256>}, {pipeline_mode = #tpu.pipeline_mode<synchronous>, transform_indices = @transform_7, window_bounds = array<i64: 1, 256>}]} {
    %get3A = arith.constant 0 : index
    %get3A_0 = arith.constant 0 : index
    %get3A_1 = arith.constant 0 : index
    %get3A_2 = arith.constant 0 : index
    %get3A_3 = vector.load %arg2[%get3A, %get3A_0, %get3A_1, %get3A_2] : memref<1x1x2048x128xf32, #tpu.memory_space<vmem>>, vector<1x1x2048x128xf32>
    %get3A_4 = vector.shape_cast %get3A_3 : vector<1x1x2048x128xf32> to vector<2048x128xf32>
    %get3A_5 = arith.constant 0 : index
    %get3A_6 = arith.constant 0 : index
    %get3A_7 = vector.load %arg3[%get3A_5, %get3A_6] : memref<1x128xf32, #tpu.memory_space<vmem>>, vector<1x128xf32>
    %broadcast_in_dim3A = arith.constant 1.000000e+00 : f32
    %broadcast_in_dim3A_8 = vector.broadcast %broadcast_in_dim3A : f32 to vector<2048x1xf32>
    %dot_general3A = arith.constant dense<0.000000e+00> : vector<2048x128xf32>
    %dot_general3A_9 = tpu.matmul %broadcast_in_dim3A_8, %get3A_7, %dot_general3A {dimension_numbers = #tpu.dot_dimension_numbers<[1], [0], [0], [1], [0, 0, 1, 1], [], []>, precision = #tpu.contract_precision<fp32>, transpose_lhs_hint = false} : vector<2048x1xf32>, vector<1x128xf32>, vector<2048x128xf32> -> vector<2048x128xf32>
    %mul3A = arith.mulf %get3A_4, %dot_general3A_9 : vector<2048x128xf32>
    %get3A_10 = arith.constant 0 : index
    %get3A_11 = arith.constant 0 : index
    %get3A_12 = vector.load %arg4[%get3A_10, %get3A_11] : memref<1x128xf32, #tpu.memory_space<vmem>>, vector<1x128xf32>
    %broadcast_in_dim3A_13 = arith.constant 1.000000e+00 : f32
    %broadcast_in_dim3A_14 = vector.broadcast %broadcast_in_dim3A_13 : f32 to vector<2048x1xf32>
    %dot_general3A_15 = arith.constant dense<0.000000e+00> : vector<2048x128xf32>
    %dot_general3A_16 = tpu.matmul %broadcast_in_dim3A_14, %get3A_12, %dot_general3A_15 {dimension_numbers = #tpu.dot_dimension_numbers<[1], [0], [0], [1], [0, 0, 1, 1], [], []>, precision = #tpu.contract_precision<fp32>, transpose_lhs_hint = false} : vector<2048x1xf32>, vector<1x128xf32>, vector<2048x128xf32> -> vector<2048x128xf32>
    %add3A = arith.addf %mul3A, %dot_general3A_16 : vector<2048x128xf32>
    %mul3A_17 = arith.constant 5.000000e-01 : f32
    %mul3A_18 = vector.broadcast %mul3A_17 : f32 to vector<2048x128xf32>
    %mul3A_19 = arith.mulf %mul3A_18, %add3A : vector<2048x128xf32>
    %mul3A_20 = arith.constant 0.707106769 : f32
    %mul3A_21 = vector.broadcast %mul3A_20 : f32 to vector<2048x128xf32>
    %mul3A_22 = arith.mulf %add3A, %mul3A_21 : vector<2048x128xf32>
    %erf3A = math.erf %mul3A_22 : vector<2048x128xf32>
    %add3A_23 = arith.constant 1.000000e+00 : f32
    %add3A_24 = vector.broadcast %add3A_23 : f32 to vector<2048x128xf32>
    %add3A_25 = arith.addf %add3A_24, %erf3A : vector<2048x128xf32>
    %mul3A_26 = arith.mulf %mul3A_19, %add3A_25 : vector<2048x128xf32>
    %get3A_27 = arith.constant 0 : index
    %get3A_28 = arith.constant 0 : index
    %get3A_29 = vector.load %arg5[%get3A_27, %get3A_28] : memref<128x256xf32, #tpu.memory_space<vmem>>, vector<128x256xf32>
    %convert_element_type3A = arith.truncf %mul3A_26 : vector<2048x128xf32> to vector<2048x128xbf16>
    %convert_element_type3A_30 = arith.truncf %get3A_29 : vector<128x256xf32> to vector<128x256xbf16>
    %dot_general3A_31 = arith.constant dense<0.000000e+00> : vector<2048x256xf32>
    %dot_general3A_32 = tpu.matmul %convert_element_type3A, %convert_element_type3A_30, %dot_general3A_31 {dimension_numbers = #tpu.dot_dimension_numbers<[1], [0], [0], [1], [0, 0, 1, 1], [], []>, transpose_lhs_hint = false} : vector<2048x128xbf16>, vector<128x256xbf16>, vector<2048x256xf32> -> vector<2048x256xf32>
    %get3A_33 = arith.constant 0 : index
    %get3A_34 = arith.constant 0 : index
    %get3A_35 = arith.constant 0 : index
    %get3A_36 = vector.load %arg6[%get3A_33, %get3A_34, %get3A_35] : memref<1x1x256xf32, #tpu.memory_space<vmem>>, vector<1x1x256xf32>
    %get3A_37 = vector.shape_cast %get3A_36 : vector<1x1x256xf32> to vector<1x256xf32>
    %broadcast_in_dim3A_38 = arith.constant 1.000000e+00 : f32
    %broadcast_in_dim3A_39 = vector.broadcast %broadcast_in_dim3A_38 : f32 to vector<2048x1xf32>
    %dot_general3A_40 = arith.constant dense<0.000000e+00> : vector<2048x256xf32>
    %dot_general3A_41 = tpu.matmul %broadcast_in_dim3A_39, %get3A_37, %dot_general3A_40 {dimension_numbers = #tpu.dot_dimension_numbers<[1], [0], [0], [1], [0, 0, 1, 1], [], []>, precision = #tpu.contract_precision<fp32>, transpose_lhs_hint = false} : vector<2048x1xf32>, vector<1x256xf32>, vector<2048x256xf32> -> vector<2048x256xf32>
    %add3A_42 = arith.addf %dot_general3A_32, %dot_general3A_41 : vector<2048x256xf32>
    %swap3A = arith.constant 0 : index
    %swap3A_43 = arith.constant 0 : index
    %swap3A_44 = arith.constant 0 : index
    %swap3A_45 = arith.constant 0 : index
    %swap3A_46 = vector.load %arg7[%swap3A, %swap3A_43, %swap3A_44, %swap3A_45] : memref<1x1x2048x256xf32, #tpu.memory_space<vmem>>, vector<1x1x2048x256xf32>
    %swap3A_47 = vector.shape_cast %swap3A_46 : vector<1x1x2048x256xf32> to vector<2048x256xf32>
    %swap3A_48 = vector.shape_cast %add3A_42 : vector<2048x256xf32> to vector<1x1x2048x256xf32>
    tpu.vector_store %arg7[%swap3A, %swap3A_43, %swap3A_44, %swap3A_45], %swap3A_48 {strides = array<i32>} : memref<1x1x2048x256xf32, #tpu.memory_space<vmem>>, vector<1x1x2048x256xf32>,
    %mul3A_49 = arith.constant 8 : i32
    %mul3A_50 = arith.muli %arg0, %mul3A_49 : i32
    %add3A_51 = arith.addi %mul3A_50, %arg1 : i32
    %eq3A = arith.constant 0 : i32
    %eq3A_52 = arith.cmpi eq, %add3A_51, %eq3A : i32
    %convert_element_type3A_53 = arith.extui %eq3A_52 : i1 to i32
    %cond3A = arith.constant 0 : i32
    %cond3A_54 = arith.cmpi ne, %convert_element_type3A_53, %cond3A : i32
    scf.if %cond3A_54 {
      %broadcast_in_dim3A_75 = arith.constant 0.000000e+00 : f32
      %broadcast_in_dim3A_76 = vector.broadcast %broadcast_in_dim3A_75 : f32 to vector<1x256xf32>
      %swap3A_77 = arith.constant 0 : index
      %swap3A_78 = arith.constant 0 : index
      %swap3A_79 = vector.load %arg8[%swap3A_77, %swap3A_78] : memref<1x256xf32, #tpu.memory_space<vmem>>, vector<1x256xf32>
      tpu.vector_store %arg8[%swap3A_77, %swap3A_78], %broadcast_in_dim3A_76 {strides = array<i32>} : memref<1x256xf32, #tpu.memory_space<vmem>>, vector<1x256xf32>,
      %broadcast_in_dim3A_80 = arith.constant 0.000000e+00 : f32
      %broadcast_in_dim3A_81 = vector.broadcast %broadcast_in_dim3A_80 : f32 to vector<1x256xf32>
      %swap3A_82 = arith.constant 0 : index
      %swap3A_83 = arith.constant 0 : index
      %swap3A_84 = vector.load %arg9[%swap3A_82, %swap3A_83] : memref<1x256xf32, #tpu.memory_space<vmem>>, vector<1x256xf32>
      tpu.vector_store %arg9[%swap3A_82, %swap3A_83], %broadcast_in_dim3A_81 {strides = array<i32>} : memref<1x256xf32, #tpu.memory_space<vmem>>, vector<1x256xf32>,
    } else {
    }
    %get3A_55 = arith.constant 0 : index
    %get3A_56 = arith.constant 0 : index
    %get3A_57 = vector.load %arg8[%get3A_55, %get3A_56] : memref<1x256xf32, #tpu.memory_space<vmem>>, vector<1x256xf32>
    %reduce_sum3A = arith.constant dense<0.000000e+00> : vector<256xf32>
    %reduce_sum3A_58 = vector.multi_reduction <add>, %add3A_42, %reduce_sum3A [0] : vector<2048x256xf32> to vector<256xf32>
    %broadcast_in_dim3A_59 = vector.shape_cast %reduce_sum3A_58 : vector<256xf32> to vector<1x256xf32>
    %add3A_60 = arith.addf %get3A_57, %broadcast_in_dim3A_59 : vector<1x256xf32>
    %swap3A_61 = arith.constant 0 : index
    %swap3A_62 = arith.constant 0 : index
    %swap3A_63 = vector.load %arg8[%swap3A_61, %swap3A_62] : memref<1x256xf32, #tpu.memory_space<vmem>>, vector<1x256xf32>
    tpu.vector_store %arg8[%swap3A_61, %swap3A_62], %add3A_60 {strides = array<i32>} : memref<1x256xf32, #tpu.memory_space<vmem>>, vector<1x256xf32>,
    %get3A_64 = arith.constant 0 : index
    %get3A_65 = arith.constant 0 : index
    %get3A_66 = vector.load %arg9[%get3A_64, %get3A_65] : memref<1x256xf32, #tpu.memory_space<vmem>>, vector<1x256xf32>
    %mul3A_67 = arith.mulf %add3A_42, %add3A_42 : vector<2048x256xf32>
    %reduce_sum3A_68 = arith.constant dense<0.000000e+00> : vector<256xf32>
    %reduce_sum3A_69 = vector.multi_reduction <add>, %mul3A_67, %reduce_sum3A_68 [0] : vector<2048x256xf32> to vector<256xf32>
    %broadcast_in_dim3A_70 = vector.shape_cast %reduce_sum3A_69 : vector<256xf32> to vector<1x256xf32>
    %add3A_71 = arith.addf %get3A_66, %broadcast_in_dim3A_70 : vector<1x256xf32>
    %swap3A_72 = arith.constant 0 : index
    %swap3A_73 = arith.constant 0 : index
    %swap3A_74 = vector.load %arg9[%swap3A_72, %swap3A_73] : memref<1x256xf32, #tpu.memory_space<vmem>>, vector<1x256xf32>
    tpu.vector_store %arg9[%swap3A_72, %swap3A_73], %add3A_71 {strides = array<i32>} : memref<1x256xf32, #tpu.memory_space<vmem>>, vector<1x256xf32>,
    return
  }
  func.func @transform_0(%arg0: i32, %arg1: i32) -> (i32, i32, i32, i32) {
    %c0_i32 = arith.constant 0 : i32
    %c0_i32_0 = arith.constant 0 : i32
    %c0_i32_1 = arith.constant 0 : i32
    return %arg0, %arg1, %c0_i32, %c0_i32_0 : i32, i32, i32, i32
  }
  func.func @transform_1(%arg0: i32, %arg1: i32) -> (i32, i32) {
    %c0_i32 = arith.constant 0 : i32
    %c0_i32_0 = arith.constant 0 : i32
    %c0_i32_1 = arith.constant 0 : i32
    return %c0_i32, %c0_i32_0 : i32, i32
  }
  func.func @transform_2(%arg0: i32, %arg1: i32) -> (i32, i32) {
    %c0_i32 = arith.constant 0 : i32
    %c0_i32_0 = arith.constant 0 : i32
    %c0_i32_1 = arith.constant 0 : i32
    return %c0_i32, %c0_i32_0 : i32, i32
  }
  func.func @transform_3(%arg0: i32, %arg1: i32) -> (i32, i32) {
    %c0_i32 = arith.constant 0 : i32
    %c0_i32_0 = arith.constant 0 : i32
    %c0_i32_1 = arith.constant 0 : i32
    return %c0_i32, %c0_i32_0 : i32, i32
  }
  func.func @transform_4(%arg0: i32, %arg1: i32) -> (i32, i32, i32) {
    %c0_i32 = arith.constant 0 : i32
    %c0_i32_0 = arith.constant 0 : i32
    %c0_i32_1 = arith.constant 0 : i32
    return %arg0, %c0_i32, %c0_i32_0 : i32, i32, i32
  }
  func.func @transform_5(%arg0: i32, %arg1: i32) -> (i32, i32, i32, i32) {
    %c0_i32 = arith.constant 0 : i32
    %c0_i32_0 = arith.constant 0 : i32
    %c0_i32_1 = arith.constant 0 : i32
    return %arg0, %arg1, %c0_i32, %c0_i32_0 : i32, i32, i32, i32
  }
  func.func @transform_6(%arg0: i32, %arg1: i32) -> (i32, i32) {
    %c0_i32 = arith.constant 0 : i32
    %c0_i32_0 = arith.constant 0 : i32
    %c0_i32_1 = arith.constant 0 : i32
    return %c0_i32, %c0_i32_0 : i32, i32
  }
  func.func @transform_7(%arg0: i32, %arg1: i32) -> (i32, i32) {
    %c0_i32 = arith.constant 0 : i32
    %c0_i32_0 = arith.constant 0 : i32
    %c0_i32_1 = arith.constant 0 : i32
    return %c0_i32, %c0_i32_0 : i32, i32
  }
}

module attributes {stable_mosaic.version = 14 : i64} {
  func.func @_final_body(%arg0: i32, %arg1: i32, %arg2: memref<1x1x2048x256xf32, #tpu.memory_space<vmem>>, %arg3: memref<1x256xf32, #tpu.memory_space<vmem>>, %arg4: memref<1x256xf32, #tpu.memory_space<vmem>>, %arg5: memref<1x1x64x256xf32, #tpu.memory_space<vmem>>) attributes {dimension_semantics = [#tpu.dimension_semantics<arbitrary>, #tpu.dimension_semantics<arbitrary>], iteration_bounds = array<i64: 16, 8>, scalar_prefetch = 0 : i64, scratch_operands = 0 : i64, tpu.core_type = #tpu.core_type<tc>, window_params = [{transform_indices = @transform_0, window_bounds = array<i64: 1, 1, 2048, 256>}, {pipeline_mode = #tpu.pipeline_mode<synchronous>, transform_indices = @transform_1, window_bounds = array<i64: 1, 256>}, {pipeline_mode = #tpu.pipeline_mode<synchronous>, transform_indices = @transform_2, window_bounds = array<i64: 1, 256>}, {transform_indices = @transform_3, window_bounds = array<i64: 1, 1, 64, 256>}]} {
    %get3A = arith.constant 0 : index
    %get3A_0 = arith.constant 0 : index
    %get3A_1 = arith.constant 0 : index
    %get3A_2 = arith.constant 0 : index
    %get3A_3 = vector.load %arg2[%get3A, %get3A_0, %get3A_1, %get3A_2] : memref<1x1x2048x256xf32, #tpu.memory_space<vmem>>, vector<1x1x2048x256xf32>
    %get3A_4 = vector.shape_cast %get3A_3 : vector<1x1x2048x256xf32> to vector<2048x256xf32>
    %get3A_5 = arith.constant 0 : index
    %get3A_6 = arith.constant 0 : index
    %get3A_7 = vector.load %arg3[%get3A_5, %get3A_6] : memref<1x256xf32, #tpu.memory_space<vmem>>, vector<1x256xf32>
    %broadcast_in_dim3A = arith.constant 1.000000e+00 : f32
    %broadcast_in_dim3A_8 = vector.broadcast %broadcast_in_dim3A : f32 to vector<2048x1xf32>
    %dot_general3A = arith.constant dense<0.000000e+00> : vector<2048x256xf32>
    %dot_general3A_9 = tpu.matmul %broadcast_in_dim3A_8, %get3A_7, %dot_general3A {dimension_numbers = #tpu.dot_dimension_numbers<[1], [0], [0], [1], [0, 0, 1, 1], [], []>, precision = #tpu.contract_precision<fp32>, transpose_lhs_hint = false} : vector<2048x1xf32>, vector<1x256xf32>, vector<2048x256xf32> -> vector<2048x256xf32>
    %mul3A = arith.mulf %get3A_4, %dot_general3A_9 : vector<2048x256xf32>
    %get3A_10 = arith.constant 0 : index
    %get3A_11 = arith.constant 0 : index
    %get3A_12 = vector.load %arg4[%get3A_10, %get3A_11] : memref<1x256xf32, #tpu.memory_space<vmem>>, vector<1x256xf32>
    %broadcast_in_dim3A_13 = arith.constant 1.000000e+00 : f32
    %broadcast_in_dim3A_14 = vector.broadcast %broadcast_in_dim3A_13 : f32 to vector<2048x1xf32>
    %dot_general3A_15 = arith.constant dense<0.000000e+00> : vector<2048x256xf32>
    %dot_general3A_16 = tpu.matmul %broadcast_in_dim3A_14, %get3A_12, %dot_general3A_15 {dimension_numbers = #tpu.dot_dimension_numbers<[1], [0], [0], [1], [0, 0, 1, 1], [], []>, precision = #tpu.contract_precision<fp32>, transpose_lhs_hint = false} : vector<2048x1xf32>, vector<1x256xf32>, vector<2048x256xf32> -> vector<2048x256xf32>
    %add3A = arith.addf %mul3A, %dot_general3A_16 : vector<2048x256xf32>
    %mul3A_17 = arith.constant 5.000000e-01 : f32
    %mul3A_18 = vector.broadcast %mul3A_17 : f32 to vector<2048x256xf32>
    %mul3A_19 = arith.mulf %mul3A_18, %add3A : vector<2048x256xf32>
    %mul3A_20 = arith.constant 0.707106769 : f32
    %mul3A_21 = vector.broadcast %mul3A_20 : f32 to vector<2048x256xf32>
    %mul3A_22 = arith.mulf %add3A, %mul3A_21 : vector<2048x256xf32>
    %erf3A = math.erf %mul3A_22 : vector<2048x256xf32>
    %add3A_23 = arith.constant 1.000000e+00 : f32
    %add3A_24 = vector.broadcast %add3A_23 : f32 to vector<2048x256xf32>
    %add3A_25 = arith.addf %add3A_24, %erf3A : vector<2048x256xf32>
    %mul3A_26 = arith.mulf %mul3A_19, %add3A_25 : vector<2048x256xf32>
    %reshape3A = vector.shape_cast %mul3A_26 : vector<2048x256xf32> to vector<64x32x256xf32>
    %slice3A = vector.extract_strided_slice %reshape3A {offsets = [0, 0, 0], sizes = [64, 1, 256], strides = [1, 1, 1]} : vector<64x32x256xf32> to vector<64x1x256xf32>
    %squeeze3A = vector.shape_cast %slice3A : vector<64x1x256xf32> to vector<64x256xf32>
    %slice3A_27 = vector.extract_strided_slice %reshape3A {offsets = [0, 1, 0], sizes = [64, 1, 256], strides = [1, 1, 1]} : vector<64x32x256xf32> to vector<64x1x256xf32>
    %squeeze3A_28 = vector.shape_cast %slice3A_27 : vector<64x1x256xf32> to vector<64x256xf32>
    %max3A = arith.maximumf %squeeze3A, %squeeze3A_28 : vector<64x256xf32>
    %slice3A_29 = vector.extract_strided_slice %reshape3A {offsets = [0, 2, 0], sizes = [64, 1, 256], strides = [1, 1, 1]} : vector<64x32x256xf32> to vector<64x1x256xf32>
    %squeeze3A_30 = vector.shape_cast %slice3A_29 : vector<64x1x256xf32> to vector<64x256xf32>
    %max3A_31 = arith.maximumf %max3A, %squeeze3A_30 : vector<64x256xf32>
    %slice3A_32 = vector.extract_strided_slice %reshape3A {offsets = [0, 3, 0], sizes = [64, 1, 256], strides = [1, 1, 1]} : vector<64x32x256xf32> to vector<64x1x256xf32>
    %squeeze3A_33 = vector.shape_cast %slice3A_32 : vector<64x1x256xf32> to vector<64x256xf32>
    %max3A_34 = arith.maximumf %max3A_31, %squeeze3A_33 : vector<64x256xf32>
    %slice3A_35 = vector.extract_strided_slice %reshape3A {offsets = [0, 4, 0], sizes = [64, 1, 256], strides = [1, 1, 1]} : vector<64x32x256xf32> to vector<64x1x256xf32>
    %squeeze3A_36 = vector.shape_cast %slice3A_35 : vector<64x1x256xf32> to vector<64x256xf32>
    %max3A_37 = arith.maximumf %max3A_34, %squeeze3A_36 : vector<64x256xf32>
    %slice3A_38 = vector.extract_strided_slice %reshape3A {offsets = [0, 5, 0], sizes = [64, 1, 256], strides = [1, 1, 1]} : vector<64x32x256xf32> to vector<64x1x256xf32>
    %squeeze3A_39 = vector.shape_cast %slice3A_38 : vector<64x1x256xf32> to vector<64x256xf32>
    %max3A_40 = arith.maximumf %max3A_37, %squeeze3A_39 : vector<64x256xf32>
    %slice3A_41 = vector.extract_strided_slice %reshape3A {offsets = [0, 6, 0], sizes = [64, 1, 256], strides = [1, 1, 1]} : vector<64x32x256xf32> to vector<64x1x256xf32>
    %squeeze3A_42 = vector.shape_cast %slice3A_41 : vector<64x1x256xf32> to vector<64x256xf32>
    %max3A_43 = arith.maximumf %max3A_40, %squeeze3A_42 : vector<64x256xf32>
    %slice3A_44 = vector.extract_strided_slice %reshape3A {offsets = [0, 7, 0], sizes = [64, 1, 256], strides = [1, 1, 1]} : vector<64x32x256xf32> to vector<64x1x256xf32>
    %squeeze3A_45 = vector.shape_cast %slice3A_44 : vector<64x1x256xf32> to vector<64x256xf32>
    %max3A_46 = arith.maximumf %max3A_43, %squeeze3A_45 : vector<64x256xf32>
    %slice3A_47 = vector.extract_strided_slice %reshape3A {offsets = [0, 8, 0], sizes = [64, 1, 256], strides = [1, 1, 1]} : vector<64x32x256xf32> to vector<64x1x256xf32>
    %squeeze3A_48 = vector.shape_cast %slice3A_47 : vector<64x1x256xf32> to vector<64x256xf32>
    %max3A_49 = arith.maximumf %max3A_46, %squeeze3A_48 : vector<64x256xf32>
    %slice3A_50 = vector.extract_strided_slice %reshape3A {offsets = [0, 9, 0], sizes = [64, 1, 256], strides = [1, 1, 1]} : vector<64x32x256xf32> to vector<64x1x256xf32>
    %squeeze3A_51 = vector.shape_cast %slice3A_50 : vector<64x1x256xf32> to vector<64x256xf32>
    %max3A_52 = arith.maximumf %max3A_49, %squeeze3A_51 : vector<64x256xf32>
    %slice3A_53 = vector.extract_strided_slice %reshape3A {offsets = [0, 10, 0], sizes = [64, 1, 256], strides = [1, 1, 1]} : vector<64x32x256xf32> to vector<64x1x256xf32>
    %squeeze3A_54 = vector.shape_cast %slice3A_53 : vector<64x1x256xf32> to vector<64x256xf32>
    %max3A_55 = arith.maximumf %max3A_52, %squeeze3A_54 : vector<64x256xf32>
    %slice3A_56 = vector.extract_strided_slice %reshape3A {offsets = [0, 11, 0], sizes = [64, 1, 256], strides = [1, 1, 1]} : vector<64x32x256xf32> to vector<64x1x256xf32>
    %squeeze3A_57 = vector.shape_cast %slice3A_56 : vector<64x1x256xf32> to vector<64x256xf32>
    %max3A_58 = arith.maximumf %max3A_55, %squeeze3A_57 : vector<64x256xf32>
    %slice3A_59 = vector.extract_strided_slice %reshape3A {offsets = [0, 12, 0], sizes = [64, 1, 256], strides = [1, 1, 1]} : vector<64x32x256xf32> to vector<64x1x256xf32>
    %squeeze3A_60 = vector.shape_cast %slice3A_59 : vector<64x1x256xf32> to vector<64x256xf32>
    %max3A_61 = arith.maximumf %max3A_58, %squeeze3A_60 : vector<64x256xf32>
    %slice3A_62 = vector.extract_strided_slice %reshape3A {offsets = [0, 13, 0], sizes = [64, 1, 256], strides = [1, 1, 1]} : vector<64x32x256xf32> to vector<64x1x256xf32>
    %squeeze3A_63 = vector.shape_cast %slice3A_62 : vector<64x1x256xf32> to vector<64x256xf32>
    %max3A_64 = arith.maximumf %max3A_61, %squeeze3A_63 : vector<64x256xf32>
    %slice3A_65 = vector.extract_strided_slice %reshape3A {offsets = [0, 14, 0], sizes = [64, 1, 256], strides = [1, 1, 1]} : vector<64x32x256xf32> to vector<64x1x256xf32>
    %squeeze3A_66 = vector.shape_cast %slice3A_65 : vector<64x1x256xf32> to vector<64x256xf32>
    %max3A_67 = arith.maximumf %max3A_64, %squeeze3A_66 : vector<64x256xf32>
    %slice3A_68 = vector.extract_strided_slice %reshape3A {offsets = [0, 15, 0], sizes = [64, 1, 256], strides = [1, 1, 1]} : vector<64x32x256xf32> to vector<64x1x256xf32>
    %squeeze3A_69 = vector.shape_cast %slice3A_68 : vector<64x1x256xf32> to vector<64x256xf32>
    %max3A_70 = arith.maximumf %max3A_67, %squeeze3A_69 : vector<64x256xf32>
    %slice3A_71 = vector.extract_strided_slice %reshape3A {offsets = [0, 16, 0], sizes = [64, 1, 256], strides = [1, 1, 1]} : vector<64x32x256xf32> to vector<64x1x256xf32>
    %squeeze3A_72 = vector.shape_cast %slice3A_71 : vector<64x1x256xf32> to vector<64x256xf32>
    %max3A_73 = arith.maximumf %max3A_70, %squeeze3A_72 : vector<64x256xf32>
    %slice3A_74 = vector.extract_strided_slice %reshape3A {offsets = [0, 17, 0], sizes = [64, 1, 256], strides = [1, 1, 1]} : vector<64x32x256xf32> to vector<64x1x256xf32>
    %squeeze3A_75 = vector.shape_cast %slice3A_74 : vector<64x1x256xf32> to vector<64x256xf32>
    %max3A_76 = arith.maximumf %max3A_73, %squeeze3A_75 : vector<64x256xf32>
    %slice3A_77 = vector.extract_strided_slice %reshape3A {offsets = [0, 18, 0], sizes = [64, 1, 256], strides = [1, 1, 1]} : vector<64x32x256xf32> to vector<64x1x256xf32>
    %squeeze3A_78 = vector.shape_cast %slice3A_77 : vector<64x1x256xf32> to vector<64x256xf32>
    %max3A_79 = arith.maximumf %max3A_76, %squeeze3A_78 : vector<64x256xf32>
    %slice3A_80 = vector.extract_strided_slice %reshape3A {offsets = [0, 19, 0], sizes = [64, 1, 256], strides = [1, 1, 1]} : vector<64x32x256xf32> to vector<64x1x256xf32>
    %squeeze3A_81 = vector.shape_cast %slice3A_80 : vector<64x1x256xf32> to vector<64x256xf32>
    %max3A_82 = arith.maximumf %max3A_79, %squeeze3A_81 : vector<64x256xf32>
    %slice3A_83 = vector.extract_strided_slice %reshape3A {offsets = [0, 20, 0], sizes = [64, 1, 256], strides = [1, 1, 1]} : vector<64x32x256xf32> to vector<64x1x256xf32>
    %squeeze3A_84 = vector.shape_cast %slice3A_83 : vector<64x1x256xf32> to vector<64x256xf32>
    %max3A_85 = arith.maximumf %max3A_82, %squeeze3A_84 : vector<64x256xf32>
    %slice3A_86 = vector.extract_strided_slice %reshape3A {offsets = [0, 21, 0], sizes = [64, 1, 256], strides = [1, 1, 1]} : vector<64x32x256xf32> to vector<64x1x256xf32>
    %squeeze3A_87 = vector.shape_cast %slice3A_86 : vector<64x1x256xf32> to vector<64x256xf32>
    %max3A_88 = arith.maximumf %max3A_85, %squeeze3A_87 : vector<64x256xf32>
    %slice3A_89 = vector.extract_strided_slice %reshape3A {offsets = [0, 22, 0], sizes = [64, 1, 256], strides = [1, 1, 1]} : vector<64x32x256xf32> to vector<64x1x256xf32>
    %squeeze3A_90 = vector.shape_cast %slice3A_89 : vector<64x1x256xf32> to vector<64x256xf32>
    %max3A_91 = arith.maximumf %max3A_88, %squeeze3A_90 : vector<64x256xf32>
    %slice3A_92 = vector.extract_strided_slice %reshape3A {offsets = [0, 23, 0], sizes = [64, 1, 256], strides = [1, 1, 1]} : vector<64x32x256xf32> to vector<64x1x256xf32>
    %squeeze3A_93 = vector.shape_cast %slice3A_92 : vector<64x1x256xf32> to vector<64x256xf32>
    %max3A_94 = arith.maximumf %max3A_91, %squeeze3A_93 : vector<64x256xf32>
    %slice3A_95 = vector.extract_strided_slice %reshape3A {offsets = [0, 24, 0], sizes = [64, 1, 256], strides = [1, 1, 1]} : vector<64x32x256xf32> to vector<64x1x256xf32>
    %squeeze3A_96 = vector.shape_cast %slice3A_95 : vector<64x1x256xf32> to vector<64x256xf32>
    %max3A_97 = arith.maximumf %max3A_94, %squeeze3A_96 : vector<64x256xf32>
    %slice3A_98 = vector.extract_strided_slice %reshape3A {offsets = [0, 25, 0], sizes = [64, 1, 256], strides = [1, 1, 1]} : vector<64x32x256xf32> to vector<64x1x256xf32>
    %squeeze3A_99 = vector.shape_cast %slice3A_98 : vector<64x1x256xf32> to vector<64x256xf32>
    %max3A_100 = arith.maximumf %max3A_97, %squeeze3A_99 : vector<64x256xf32>
    %slice3A_101 = vector.extract_strided_slice %reshape3A {offsets = [0, 26, 0], sizes = [64, 1, 256], strides = [1, 1, 1]} : vector<64x32x256xf32> to vector<64x1x256xf32>
    %squeeze3A_102 = vector.shape_cast %slice3A_101 : vector<64x1x256xf32> to vector<64x256xf32>
    %max3A_103 = arith.maximumf %max3A_100, %squeeze3A_102 : vector<64x256xf32>
    %slice3A_104 = vector.extract_strided_slice %reshape3A {offsets = [0, 27, 0], sizes = [64, 1, 256], strides = [1, 1, 1]} : vector<64x32x256xf32> to vector<64x1x256xf32>
    %squeeze3A_105 = vector.shape_cast %slice3A_104 : vector<64x1x256xf32> to vector<64x256xf32>
    %max3A_106 = arith.maximumf %max3A_103, %squeeze3A_105 : vector<64x256xf32>
    %slice3A_107 = vector.extract_strided_slice %reshape3A {offsets = [0, 28, 0], sizes = [64, 1, 256], strides = [1, 1, 1]} : vector<64x32x256xf32> to vector<64x1x256xf32>
    %squeeze3A_108 = vector.shape_cast %slice3A_107 : vector<64x1x256xf32> to vector<64x256xf32>
    %max3A_109 = arith.maximumf %max3A_106, %squeeze3A_108 : vector<64x256xf32>
    %slice3A_110 = vector.extract_strided_slice %reshape3A {offsets = [0, 29, 0], sizes = [64, 1, 256], strides = [1, 1, 1]} : vector<64x32x256xf32> to vector<64x1x256xf32>
    %squeeze3A_111 = vector.shape_cast %slice3A_110 : vector<64x1x256xf32> to vector<64x256xf32>
    %max3A_112 = arith.maximumf %max3A_109, %squeeze3A_111 : vector<64x256xf32>
    %slice3A_113 = vector.extract_strided_slice %reshape3A {offsets = [0, 30, 0], sizes = [64, 1, 256], strides = [1, 1, 1]} : vector<64x32x256xf32> to vector<64x1x256xf32>
    %squeeze3A_114 = vector.shape_cast %slice3A_113 : vector<64x1x256xf32> to vector<64x256xf32>
    %max3A_115 = arith.maximumf %max3A_112, %squeeze3A_114 : vector<64x256xf32>
    %slice3A_116 = vector.extract_strided_slice %reshape3A {offsets = [0, 31, 0], sizes = [64, 1, 256], strides = [1, 1, 1]} : vector<64x32x256xf32> to vector<64x1x256xf32>
    %squeeze3A_117 = vector.shape_cast %slice3A_116 : vector<64x1x256xf32> to vector<64x256xf32>
    %max3A_118 = arith.maximumf %max3A_115, %squeeze3A_117 : vector<64x256xf32>
    %swap3A = arith.constant 0 : index
    %swap3A_119 = arith.constant 0 : index
    %swap3A_120 = arith.constant 0 : index
    %swap3A_121 = arith.constant 0 : index
    %swap3A_122 = vector.load %arg5[%swap3A, %swap3A_119, %swap3A_120, %swap3A_121] : memref<1x1x64x256xf32, #tpu.memory_space<vmem>>, vector<1x1x64x256xf32>
    %swap3A_123 = vector.shape_cast %swap3A_122 : vector<1x1x64x256xf32> to vector<64x256xf32>
    %swap3A_124 = vector.shape_cast %max3A_118 : vector<64x256xf32> to vector<1x1x64x256xf32>
    tpu.vector_store %arg5[%swap3A, %swap3A_119, %swap3A_120, %swap3A_121], %swap3A_124 {strides = array<i32>} : memref<1x1x64x256xf32, #tpu.memory_space<vmem>>, vector<1x1x64x256xf32>,
    return
  }
  func.func @transform_0(%arg0: i32, %arg1: i32) -> (i32, i32, i32, i32) {
    %c0_i32 = arith.constant 0 : i32
    %c0_i32_0 = arith.constant 0 : i32
    %c0_i32_1 = arith.constant 0 : i32
    return %arg0, %arg1, %c0_i32, %c0_i32_0 : i32, i32, i32, i32
  }
  func.func @transform_1(%arg0: i32, %arg1: i32) -> (i32, i32) {
    %c0_i32 = arith.constant 0 : i32
    %c0_i32_0 = arith.constant 0 : i32
    %c0_i32_1 = arith.constant 0 : i32
    return %c0_i32, %c0_i32_0 : i32, i32
  }
  func.func @transform_2(%arg0: i32, %arg1: i32) -> (i32, i32) {
    %c0_i32 = arith.constant 0 : i32
    %c0_i32_0 = arith.constant 0 : i32
    %c0_i32_1 = arith.constant 0 : i32
    return %c0_i32, %c0_i32_0 : i32, i32
  }
  func.func @transform_3(%arg0: i32, %arg1: i32) -> (i32, i32, i32, i32) {
    %c0_i32 = arith.constant 0 : i32
    %c0_i32_0 = arith.constant 0 : i32
    %c0_i32_1 = arith.constant 0 : i32
    return %arg0, %arg1, %c0_i32, %c0_i32_0 : i32, i32, i32, i32
  }
}

</mosaic_0001>

<sc_bundles>
// kernel: kernel.12.cloned.1.call-start
scs
__scs_entry_jumppad:
0x0: {  	(pc) =	sbr.rel $0x88, $3  }
0x1: {  	(tag) =	ssettag $0x0;
	lr =	simm.s32 $0x1  }
0x2: {  	[smem:$0x3F8F] =	sst lr;
	_ =	strace $0xD0000000  }
0x3: {  	_ = 	snop  }
0x4: {  	_ = 	snop  }
0x5: {  	_ = 	snop  }
0x6: {  	_ = 	snop  }
0x7: {  	_ = 	snop  }
__scs_overlays_trampoline_lowered:
0x8: {  	[smem:$0x3F9E] =	sst s0  }
0x9: {  	[smem:$0x3F9F] =	sst s1  }
0xa: {  	[smem:$0x3FA0] =	sst s2  }
0xb: {  	[smem:$0x3FA1] =	sst s3  }
0xc: {  	[smem:$0x3FA2] =	sst s4  }
0xd: {  	[smem:$0x3FA3] =	sst s5  }
0xe: {  	[smem:$0x3FA4] =	sst s6  }
0xf: {  	[smem:$0x3FA5] =	sst s7  }
0x10: {  	[smem:$0x3FA6] =	sst s8  }
0x11: {  	[smem:$0x3FA7] =	sst s9;
	s0 =	simm.s32 @!p0 $0x0  }
0x12: {  	s1 =	sld [smem:$0x3F8D];
	s0 =	simm.s32 @p0 $0x1  }
0x13: {  	[smem:$0x3FA8] =	sst s0;
	s0 =	simm.s32 @!p1 $0x0  }
0x14: {  	s2 =	sld [smem:$0x3F8C];
	s0 =	simm.s32 @p1 $0x1  }
0x15: {  	[smem:$0x3FA9] =	sst s0;
	s0 =	simm.s32 @!p2 $0x0  }
0x16: {  	s3 =	sld [smem:$0x3FDB];
	s0 =	simm.s32 @p2 $0x1  }
0x17: {  	s4 =	simm.s32 $0x1BF5;
	[smem:$0x3FAB] =	sst s0  }
0x18: {  	s0 =	sld [smem:$0x3F8E];
	_ =	swait.ge [sflag:s4], $0x0  }
0x19: {  	s7 =	sld [smem:$0x3F8F]  }
0x1a: {  	s8 =	sadd.s32 $0xFFFFE003, lr  }
0x1b: {  	s9 =	sadd.s32 $0xFFFFFEF7, lr;
	s5 =	simm.s32 $0xFFFFFFFF;
	p2 =	slt.u32 s8, $0xFFFFF086  }
0x1c: {  	p1 =	slt.u32 s9, $0xF7A;
	s5 =	simm.s32 @!p2 $0x0  }
0x1d: {  	s5 =	simm.s32 @p1 $0x1;
	p0 =	seq.s32 s7, s2  }
0x1e: {  	s7 =	smul.u32 @!p0 $0xF7A, s2;
	p2 =	seq.s32 @!p0 s5, $0x0  }
0x1f: {  	s9 =	smul.u32 $0xF7A, s1;
	s8 =	simm.s32 @!p0 $0x1BF5;
	p2 =	por !p2, p0  }
0x20: {  	[sflag:s8] =	ssyncset.s32 @!p0 $0xFFFFF086;
	s6 =	sadd.s32 @!p0 s3, s7;
	s7 =	simm.s32 @!p0 $0x108  }
0x21: {  	s3 =	sadd.s32 s3, s9;
	s6 =	sadd.s32 @!p0 $0x88, s6;
	s7 =	simm.s32 @p2 $0x1082  }
0x22: {  	[simem:s7], [sflag:s8] =	dma.local @!p0 [hbm:s6], $0xF7A  }
0x23: {  	s9 =	sor.u32 $0xD0000000, s2;
	s6 =	simm.s32 $0x108;
	_ =	swait.ge @!p0 [sflag:s8], $0x0  }
0x24: {  	s3 =	sadd.s32 $0x88, s3;
	s6 =	simm.s32 @!p1 $0x1082;
	[sflag:s4] =	ssyncset.s32 $0xFFFFF086  }
0x25: {  	[simem:s6], [sflag:s4] =	dma.local [hbm:s3], $0xF7A  }
0x26: {  	[smem:$0x3F8F] =	sst s1;
	(tag) =	ssettag s2;
	_ =	strace s9  }
0x27: {  	s1 =	sld [smem:$0x3F9F]  }
0x28: {  	s2 =	sld [smem:$0x3FA0]  }
0x29: {  	s4 =	sld [smem:$0x3FA2]  }
0x2a: {  	p0 =	seq.s32 s5, $0x0;
	s5 =	sld [smem:$0x3FA3]  }
0x2b: {  	s6 =	sld [smem:$0x3FA4]  }
0x2c: {  	s7 =	sld [smem:$0x3FA5]  }
0x2d: {  	s3 =	simm.s32 $0x108;
	s8 =	sld [smem:$0x3FA6]  }
0x2e: {  	s3 =	simm.s32 @!p0 $0x1082;
	s9 =	sld [smem:$0x3FA7]  }
0x2f: {  	lr =	sadd.s32 s0, s3;
	s0 =	sld [smem:$0x3F9E]  }
0x30: {  	s3 =	sld [smem:$0x3FA1]  }
0x31: {  	[smem:$0x3FAA] =	sst s10  }
0x32: {  	s10 =	sld [smem:$0x3FA8];
	_ =	sdelay $0x3  }
0x33: {  	p0 =	seq.s32 s10, $0x1;
	s10 =	sld [smem:$0x3FAA];
	_ =	sdelay $0x3  }
0x34: {  	[smem:$0x3FAA] =	sst s10  }
0x35: {  	s10 =	sld [smem:$0x3FA9];
	_ =	sdelay $0x3  }
0x36: {  	p1 =	seq.s32 s10, $0x1;
	s10 =	sld [smem:$0x3FAA];
	_ =	sdelay $0x3  }
0x37: {  	[smem:$0x3FAA] =	sst s10  }
0x38: {  	s10 =	sld [smem:$0x3FAB]  }
0x39: {  	_ = 	snop;
	(pc) =	sbr.ind lr, $3  }
0x3a: {  	_ = 	snop  }
0x3b: {  	_ = 	snop  }
0x3c: {  	p2 =	seq.s32 s10, $0x1;
	s10 =	sld [smem:$0x3FAA]  }
0x3d: {  	_ =	shalt  }
0x3e: {  	_ =	shalt  }
0x3f: {  	_ =	shalt  }
0x40: {  	_ =	shalt  }
0x41: {  	_ =	shalt  }
0x42: {  	_ =	shalt  }
0x43: {  	_ =	shalt  }
0x44: {  	_ =	shalt  }
0x45: {  	_ =	shalt  }
0x46: {  	_ =	shalt  }
0x47: {  	_ =	shalt  }
0x48: {  	_ =	shalt  }
0x49: {  	_ =	shalt  }
0x4a: {  	_ =	shalt  }
0x4b: {  	_ =	shalt  }
0x4c: {  	_ =	shalt  }
0x4d: {  	_ =	shalt  }
0x4e: {  	_ =	shalt  }
0x4f: {  	_ =	shalt  }
0x50: {  	_ =	shalt  }
0x51: {  	_ =	shalt  }
0x52: {  	_ =	shalt  }
0x53: {  	_ =	shalt  }
0x54: {  	_ =	shalt  }
0x55: {  	_ =	shalt  }
0x56: {  	_ =	shalt  }
0x57: {  	_ =	shalt  }
0x58: {  	_ =	shalt  }
0x59: {  	_ =	shalt  }
0x5a: {  	_ =	shalt  }
0x5b: {  	_ =	shalt  }
0x5c: {  	_ =	shalt  }
0x5d: {  	_ =	shalt  }
0x5e: {  	_ =	shalt  }
0x5f: {  	_ =	shalt  }
0x60: {  	_ =	shalt  }
0x61: {  	_ =	shalt  }
0x62: {  	_ =	shalt  }
0x63: {  	_ =	shalt  }
0x64: {  	_ =	shalt  }
0x65: {  	_ =	shalt  }
0x66: {  	_ =	shalt  }
0x67: {  	_ =	shalt  }
0x68: {  	_ =	shalt  }
0x69: {  	_ =	shalt  }
0x6a: {  	_ =	shalt  }
0x6b: {  	_ =	shalt  }
0x6c: {  	_ =	shalt  }
0x6d: {  	_ =	shalt  }
0x6e: {  	_ =	shalt  }
0x6f: {  	_ =	shalt  }
0x70: {  	_ =	shalt  }
0x71: {  	_ =	shalt  }
0x72: {  	_ =	shalt  }
0x73: {  	_ =	shalt  }
0x74: {  	_ =	shalt  }
0x75: {  	_ =	shalt  }
0x76: {  	_ =	shalt  }
0x77: {  	_ =	shalt  }
0x78: {  	_ =	shalt  }
0x79: {  	_ =	shalt  }
0x7a: {  	_ =	shalt  }
0x7b: {  	_ =	shalt  }
0x7c: {  	_ =	shalt  }
0x7d: {  	_ =	shalt  }
0x7e: {  	_ =	shalt  }
0x7f: {  	_ =	shalt  }
0x80: {  	_ =	shalt  }
0x81: {  	_ =	shalt  }
0x82: {  	_ =	shalt  }
0x83: {  	_ =	shalt  }
0x84: {  	_ =	shalt  }
0x85: {  	_ =	shalt  }
0x86: {  	_ =	shalt  }
0x87: {  	_ =	shalt  }
.Lfunc_end0:
.L_simem_size_0:
called_computation_lowered:
.L_overlay_start_0:
0x88: {  	s2 =	sld [smem:$0x3FD9]  }
0x89: {  	s3 =	sld [smem:$0x3FFE];
	_ =	sdelay $0x1  }
0x8a: {  	s1 =	srdreg.scid  }
0x8b: {  	s0 =	sand.u32 $0x1, s1  }
0x8c: {  	s14 =	sshll.u32 s0, $0xA;
	s2 =	sadd.s32 s3, s2  }
0x8d: {  	s2 =	sadd.s32 s2, s14  }
0x8e: {  	[smem:$0x3FB6] =	sst s2  }
0x8f: {  	_ = 	snop  }
0x90: {  	s2 =	sld [smem:$0x3FD0];
	_ =	sdelay $0x2  }
0x91: {  	s15 =	simm.s32 $0xA;
	s4 =	simm.s32 $0x10  }
0x92: {  	[smem:s4], [sflag:s15] =	dma.local [hbm:s2], $0x1  }
0x93: {  	_ =	swait.eq [sflag:s15], $0x1  }
0x94: {  	[sflag:s15] =	ssyncset.done $0x0  }
0x95: {  	[sflag:s15] =	ssyncadd.s32 $0xFFFFFFFF  }
0x96: {  	s16 =	sld [smem:$0x11];
	(tm) =	ssettm $0x1  }
0x97: {  	s17 =	sld [smem:$0x3FFB];
	_ =	sdelay $0x3  }
0x98: {  	_ =	strace s17  }
0x99: {  	s3 =	sld [smem:$0x3FFC];
	_ =	sdelay $0x3  }
0x9a: {  	_ =	strace s3  }
0x9b: {  	s3 =	sld [smem:$0x3FFD];
	_ =	sdelay $0x3  }
0x9c: {  	_ =	strace s3  }
0x9d: {  	_ =	strace $0x8FFFFFFF  }
0x9e: {  	s18 =	sld [smem:$0x3FDB];
	_ =	sdelay $0x1  }
0x9f: {  	s19 =	simm.s32 $_scs_section_size  }
0xa0: {  	s5 =	simm.s32 $_size__tile_overlayer_lowered;
	s6 =	simm.s32 $_tile_overlayer_lowered  }
0xa1: {  	s22 =	simm.s32 $0x1BFF;
	s21 =	sshll.u32 s6, $0x1;
	s3 =	sadd.s32 s19, s18  }
0xa2: {  	s7 =	simm.s32 $0x0;
	s20 =	sshll.u32 s5, $0x1;
	s5 =	sadd.s32 s21, s3  }
0xa3: {  	[timem:s7], [sflag:s22] =	dma.local [hbm:s5], s20  }
0xa4: {  	_ =	swait.ge [sflag:s22], s20  }
0xa5: {  	s4 =	ssub.s32 $0x0, s20;
	[sflag:s22] =	ssyncset.done $0x0  }
0xa6: {  	[sflag:s22] =	ssyncadd.s32 s4;
	_ =	sdelay $0x1  }
0xa7: {  	s23 =	simm.s32 $0x1B8B  }
0xa8: {  	_ =	swait.ge [sflag:s23], $0x1  }
0xa9: {  	[sflag:s23] =	ssyncset.done $0x0  }
0xaa: {  	s25 =	simm.s32 $0x1B8E;
	s24 =	sld [smem:$0x3FFE];
	[sflag:s23] =	ssyncadd.s32 $0xFFFFFFFF  }
0xab: {  	s26 =	simm.s32 $execute0_lowered;
	[smem:$0x3FD2] =	sst s25  }
0xac: {  	s5 =	sshll.u32 s26, $0x1;
	_ =	strace $0x80000046;
	[dreg:$0x1] =	wrdreg $0xFFFFFFFF  }
0xad: {  	s28 =	simm.s32 $_size_execute0_lowered;
	s3 =	sadd.s32 s3, s5;
	[dreg:$0x0] =	wrdreg $0x0  }
0xae: {  	s5 =	sshll.u32 s28, $0x1;
	[dreg:$0x2] =	wrdreg s3  }
0xaf: {  	[dreg:$0x3] =	wrdreg s5  }
0xb0: {  	[dreg:$0x4] =	wrdreg $0xC0  }
0xb1: {  	_ =	task [dreg:s7], $0x5FFFF  }
0xb2: {  	[dreg:$0x1] =	wrdreg $0xFFFFFFFF  }
0xb3: {  	[dreg:$0x0] =	wrdreg $0x60  }
0xb4: {  	[dreg:$0x2] =	wrdreg s24  }
0xb5: {  	[dreg:$0x3] =	wrdreg s16  }
0xb6: {  	[dreg:$0x4] =	wrdreg $0x9  }
0xb7: {  	_ =	task.clear_ibuf [dreg:s7], $0x5FFFF;
	_ =	strace $0x90000046  }
0xb8: {  	s29 =	simm.s32 $0x9;
	_ =	strace $0x80000048  }
0xb9: {  	_ =	swait.ge [sflag:s29], $0x1  }
0xba: {  	[sflag:s29] =	ssyncadd.s32 $0xFFFFFFFF  }
0xbb: {  	_ =	strace $0x90000048  }
0xbc: {  	_ =	sfence  }
0xbd: {  	s30 =	sld [smem:$0x0];
	_ =	sdelay $0x2  }
0xbe: {  	s31 =	sshll.u32 s1, $0xD;
	s1 =	sshrl.u32 s1, $0x2  }
0xbf: {  	s3 =	sand.u32 $0x4000, s31;
	s1 =	sadd.s32 s1, s30  }
0xc0: {  	s0 =	sor.u32 s3, s0;
	s1 =	sshll.u32 s1, $0x11  }
0xc1: {  	s0 =	sor.u32 s1, s0  }
0xc2: {  	s0 =	sadd.s32 $0x8F2B, s0  }
0xc3: {  	[sflag:s0] =	ssyncadd.remote.s32 $0x1  }
0xc4: {  	_ =	sfence.sel $0xFFFF  }
0xc5: {  	[dreg:$0x0] =	wrdreg $0xFFFFFFFF;
	(pc) =	sbr.abs _section_cstart, $3  }
0xc6: {  	[dreg:$0x1] =	wrdreg $0xFFFFFFFF  }
0xc7: {  	_ =	task.clear_ibuf [dreg:s7], $0x2FFFF;
	_ =	strace $0x9FFFFFFF  }
0xc8: {  	(tm) =	ssettm $0x7FFFFFFF  }
0xc9: {  	_ =	shalt  }
tec
execute0_lowered:
.L_overlay_start_1:
0x0: {  	(tag) =	ssettag $0x1  }
0x1: {  	s4 =	rddreg [dreg:$0x0]  }
0x2: {  	s6 =	rddreg [dreg:$0x1]  }
0x3: {  	s0 =	rddreg [dreg:$0x2];
	s2 =	simm.s32 $0x0;
	s1 =	stileid.u32  }
0x4: {  	s3 =	srdreg.scid;
	[smem:$0x7FF] =	sst s2  }
0x5: {  	s5 =	sshll.u32 s1, $0x12;
	s7 =	sand.u32 $0x1, s3;
	s3 =	sadd.s32 $0x5E00, s4  }
0x6: {  	s9 =	sshll.u32 s1, $0xE;
	_ =	strace $0x80000047;
	s5 =	sadd.s32 s5, s4  }
0x7: {  	s29 =	ssub.s32 $0x2, s7;
	s10 =	sshll.u32 s7, $0xD;
	s7 =	sshll.u32 s7, $0x11  }
0x8: {  	s8 =	sshrl.u32 s29, $0x1;
	s30 =	sor.u32 s10, s9;
	s5 =	sadd.s32 s7, s5  }
0x9: {  	s7 =	simm.s32 $0x2;
	s9 =	simm.s32 $0x1;
	s10 =	simm.s32 $0x0  }
0xa: {  	s4 =	ssub.s32 s29, s8;
	s31 =	sshrl.u32 s30, $0x3;
	s5 =	sadd.s32 $0x85E00, s5  }
0xb: {  	s8 =	simm.s32 $0x80;
	s4 =	smax.u32 s4, $0x1;
	s6 =	sadd.s32 s31, s6  }
.LBB2_1:
0xc: {  	s11 =	sadd.s32 $0x0, s6  }
0xd: {  	[tilespmem:s2], [sflag:$0x2] =	stream.linear.gather [hbm4b:s11+s2], $0x80, $0x38;
	[tilespmem:$0x4080] =	vst v63  }
0xe: {  	_ =	swait.ge [sflag:s7], $0x80  }
0xf: {  	[sflag:s7] =	ssyncset.done $0x0  }
0x10: {  	[sflag:s7] =	ssyncadd.s32 $0xFFFFFF80  }
0x11: {  	[tilespmem:s8], [sflag:$0x1] =	stream.indirect.gather [hbm4b:s3+s8], $0x80, s2, s8, $0xb8;
	[tilespmem:$0x4080] =	vst v63  }
0x12: {  	_ =	swait.ge [sflag:s9], $0x4000  }
0x13: {  	[sflag:s9] =	ssyncset.done $0x0  }
0x14: {  	[sflag:s9] =	ssyncadd.s32 $0xFFFFC000  }
0x15: {  	[hbm4b:s5+s2] =	stream.linear.scatter [tilespmem:s8], [sflag:$0x2], $0x4000, $0x38;
	[tilespmem:$0x4080] =	vst v63  }
0x16: {  	s12 =	simm.s32 $0x10;
	_ =	swait.ge [sflag:s7], $0x4000  }
0x17: {  	s13 =	simm.s32 $0x20;
	s11 =	sadd.s32 $0x800, s5;
	[sflag:s7] =	ssyncset.done $0x0  }
.LBB2_2:
0x18: {  	s14 =	sadd.s32 s12, s6  }
0x19: {  	[sflag:s7] =	ssyncadd.s32 $0xFFFFC000;
	s12 =	smov.u32 s13;
	s15 =	sadd.s32 $0x10, s13  }
0x1a: {  	[tilespmem:s2], [sflag:$0x2] =	stream.linear.gather [hbm4b:s14+s2], $0x80, $0x38;
	[tilespmem:$0x4080] =	vst v63  }
0x1b: {  	p0 =	sne.s32 s13, $0x3F0;
	_ =	swait.ge [sflag:s7], $0x80  }
0x1c: {  	[sflag:s7] =	ssyncset.done $0x0  }
0x1d: {  	[sflag:s7] =	ssyncadd.s32 $0xFFFFFF80  }
0x1e: {  	[tilespmem:s8], [sflag:$0x1] =	stream.indirect.gather [hbm4b:s3+s8], $0x80, s2, s8, $0xb8;
	[tilespmem:$0x4080] =	vst v63  }
0x1f: {  	_ =	swait.ge [sflag:s9], $0x4000  }
.Ltmp0:
0x20: {  	[sflag:s9] =	ssyncset.done $0x0;
	(pc) =	sbr.rel @p0 .LBB2_2-.Ltmp0, $4  }
0x21: {  	[sflag:s9] =	ssyncadd.s32 $0xFFFFC000  }
0x22: {  	[hbm4b:s11+s2] =	stream.linear.scatter [tilespmem:s8], [sflag:$0x2], $0x4000, $0x38;
	[tilespmem:$0x4080] =	vst v63  }
0x23: {  	_ =	swait.ge [sflag:s7], $0x4000  }
0x24: {  	s13 =	smov.u32 s15;
	s11 =	sadd.s32 $0x800, s11;
	[sflag:s7] =	ssyncset.done $0x0  }
0x25: {  	s12 =	sadd.s32 s12, s6;
	[sflag:s7] =	ssyncadd.s32 $0xFFFFC000  }
0x26: {  	[tilespmem:s2], [sflag:$0x2] =	stream.linear.gather [hbm4b:s12+s2], $0x80, $0x38;
	[tilespmem:$0x4080] =	vst v63  }
0x27: {  	_ =	swait.ge [sflag:s7], $0x80  }
0x28: {  	[sflag:s7] =	ssyncset.done $0x0  }
0x29: {  	[sflag:s7] =	ssyncadd.s32 $0xFFFFFF80  }
0x2a: {  	[tilespmem:s8], [sflag:$0x1] =	stream.indirect.gather [hbm4b:s3+s8], $0x80, s2, s8, $0xb8;
	[tilespmem:$0x4080] =	vst v63  }
0x2b: {  	s10 =	sadd.s32 $0x1, s10;
	_ =	swait.ge [sflag:s9], $0x4000  }
0x2c: {  	p0 =	sne.s32 s10, s4;
	[sflag:s9] =	ssyncset.done $0x0  }
.Ltmp1:
0x2d: {  	[sflag:s9] =	ssyncadd.s32 $0xFFFFC000;
	(pc) =	sbr.rel @p0 .LBB2_1-.Ltmp1, $4  }
0x2e: {  	[hbm4b:s11+s2] =	stream.linear.scatter [tilespmem:s8], [sflag:$0x2], $0x4000, $0x38;
	[tilespmem:$0x4080] =	vst v63  }
0x2f: {  	_ =	swait.ge [sflag:s7], $0x4000  }
0x30: {  	[sflag:s7] =	ssyncset.done $0x0  }
0x31: {  	[sflag:s7] =	ssyncadd.s32 $0xFFFFC000  }
0x32: {  	_ =	sfence.sel $0x180000  }
0x33: {  	[bflag:$0x0] =	sbarrier.arrive $0xFFFF  }
0x34: {  	p0 =	sne.s32 s1, $0x0;
	_ =	strace $0x90000047  }
0x35: {  	s0 =	sadd.s32 @!p0 $0x100000, s0;
	[bflag:$0x2] =	sbarrier.arrive $0xFFFF  }
0x36: {  	[sflag:s0] =	ssyncadd.tile.s32 @!p0 $0x1;
	_ =	shalt  }
.Lfunc_end2:
_tile_overlayer_lowered:
.L_overlay_start_2:
0x37: {  	(tag) =	ssettag $0x2  }
0x38: {  	s0 =	rddreg [dreg:$0x0];
	s2 =	stileid.u32  }
0x39: {  	s1 =	rddreg [dreg:$0x1];
	p0 =	sne.s32 s2, $0x0  }
0x3a: {  	s3 =	rddreg [dreg:$0x2];
	[bflag:$0x3] =	sbarrier.arrive $0xFFFF;
	s2 =	simm.s32 @!p0 $0x1C02  }
0x3b: {  	[timem:s3], [sflag:s2] =	dma.local @!p0 [hbm:s0], s1  }
0x3c: {  	s0 =	simm.s32 @!p0 $0x2  }
0x3d: {  	_ =	swait.ge @!p0 [sflag:s0], s1  }
0x3e: {  	s1 =	ssub.s32 @!p0 $0x0, s1;
	[sflag:s0] =	ssyncset.done @!p0 $0x0  }
0x3f: {  	[sflag:s0] =	ssyncadd.s32 @!p0 s1  }
0x40: {  	[bflag:$0x3] =	sbarrier.arrive $0xFFFF  }
0x41: {  	_ =	shalt  }

</sc_bundles>
